<compile_context>
chip_gen: v7x
topology: tpu7x:2x2x1
jax: 0.10.2.dev20260603
libtpu: 0.0.44.dev20260713+nightly
codegen_flags: <defaults>
</compile_context>

<pallas_src>
import functools

import jax
import jax.numpy as jnp
from jax import lax
from jax.experimental import pallas as pl
from jax.experimental.pallas import tpu as pltpu
from jax.experimental.pallas import tpu_sc as plsc

VOCAB = 1000000
EMBED = 32
BATCH = 16384
FIELDS = 26

B = BATCH * FIELDS
NC = 2
NS = 16
NW = NC * NS
B_PER_W = B // NW
CHUNK = 832
N_GROUPS = B_PER_W // CHUNK
NBUF = 4
INFLIGHT = 3

_mesh = plsc.VectorSubcoreMesh(core_axis_name="c", subcore_axis_name="s")


@functools.partial(
    pl.kernel,
    mesh=_mesh,
    out_type=jax.ShapeDtypeStruct((B, EMBED), jnp.float32),
    scratch_types=(
        [pltpu.VMEM((B_PER_W,), jnp.int32)]
        + [pltpu.VMEM((CHUNK, EMBED), jnp.float32) for _ in range(NBUF)]
        + [pltpu.SemaphoreType.DMA for _ in range(2 * NBUF)]
    ),
    compiler_params=pltpu.CompilerParams(use_tc_tiling_on_sc=False),
)
def _sc_gather(idx_hbm, table_hbm, out_hbm, idx_v, *bufs_and_sems):
    wid = lax.axis_index("s") * NC + lax.axis_index("c")
    base = wid * B_PER_W

    bufs = bufs_and_sems[:NBUF]
    gsems = bufs_and_sems[NBUF : 2 * NBUF]
    ssems = bufs_and_sems[2 * NBUF :]

    pltpu.sync_copy(idx_hbm.at[pl.ds(base, B_PER_W)], idx_v)

    def gather(g):
        return pltpu.async_copy(
            table_hbm.at[idx_v.at[pl.ds(g * CHUNK, CHUNK)]],
            bufs[g % NBUF],
            gsems[g % NBUF],
        )

    def store(g):
        return pltpu.async_copy(
            bufs[g % NBUF],
            out_hbm.at[pl.ds(base + g * CHUNK, CHUNK)],
            ssems[g % NBUF],
        )

    pend_g = [None] * N_GROUPS
    pend_s = [None] * N_GROUPS
    for g in range(min(INFLIGHT, N_GROUPS)):
        pend_g[g] = gather(g)
    for g in range(N_GROUPS):
        pend_g[g].wait()
        nxt = g + INFLIGHT
        if nxt < N_GROUPS:
            if nxt - NBUF >= 0 and pend_s[nxt - NBUF] is not None:
                pend_s[nxt - NBUF].wait()
            pend_g[nxt] = gather(nxt)
        pend_s[g] = store(g)
    for g in range(max(0, N_GROUPS - NBUF), N_GROUPS):
        if pend_s[g] is not None:
            pend_s[g].wait()


def kernel(features, table):
    idx = features.astype(jnp.int32).reshape(B)
    flat = _sc_gather(idx, table)
    return flat.reshape(BATCH, FIELDS, EMBED)

# --- scband reference (transcript-rebuilt; emitter-appended) ---
"""Pipeline reference for scband-embedding-88149908783520 (READ-ONLY COPY).

The authoritative reference and input builder live on the scoring server;
editing this copy changes nothing except your own understanding.
"""

import jax, jax.numpy as jnp
import numpy as np

VOCAB = 1000000
EMBED = 32
BATCH = 16384
FIELDS = 26

def setup_inputs(seed: int = 0) -> dict:
    key = jax.random.key(seed)
    k_idx, k_tab = jax.random.split(key)
    features = jax.random.randint(k_idx, (BATCH, FIELDS), 0, VOCAB, dtype=jnp.int64) if jax.config.jax_enable_x64 else jax.random.randint(k_idx, (BATCH, FIELDS), 0, VOCAB, dtype=jnp.int32)
    table = jax.random.normal(k_tab, (VOCAB, EMBED), dtype=jnp.float32)
    return {"features": features, "table": table}

def reference(features, table):
    # nn.Embedding forward: row gather from the embedding table
    return jnp.take(table, features, axis=0)

if __name__ == "__main__":
    import jax
    _d = setup_inputs()
    print(jax.jit(kernel)(*tuple(_d.values())))

</pallas_src>

<mosaic_0001>
#map = affine_map<(d0, d1) -> (0)>
#map1 = affine_map<(d0, d1) -> (0, 0)>
module attributes {stable_mosaic.version = 14 : i64} {
  func.func @_sc_gather(%arg0: i32, %arg1: i32, %arg2: memref<425984xi32, #tpu.memory_space<hbm>>, %arg3: memref<1000000x32xf32, #tpu.memory_space<hbm>>, %arg4: memref<425984x32xf32, #tpu.memory_space<hbm>>, %arg5: memref<13312xi32, #tpu.memory_space<vmem>>, %arg6: memref<832x32xf32, #tpu.memory_space<vmem>>, %arg7: memref<832x32xf32, #tpu.memory_space<vmem>>, %arg8: memref<832x32xf32, #tpu.memory_space<vmem>>, %arg9: memref<832x32xf32, #tpu.memory_space<vmem>>, %arg10: memref<!tpu.dma_semaphore, #tpu.memory_space<semaphore_mem>>, %arg11: memref<!tpu.dma_semaphore, #tpu.memory_space<semaphore_mem>>, %arg12: memref<!tpu.dma_semaphore, #tpu.memory_space<semaphore_mem>>, %arg13: memref<!tpu.dma_semaphore, #tpu.memory_space<semaphore_mem>>, %arg14: memref<!tpu.dma_semaphore, #tpu.memory_space<semaphore_mem>>, %arg15: memref<!tpu.dma_semaphore, #tpu.memory_space<semaphore_mem>>, %arg16: memref<!tpu.dma_semaphore, #tpu.memory_space<semaphore_mem>>, %arg17: memref<!tpu.dma_semaphore, #tpu.memory_space<semaphore_mem>>) attributes {dimension_semantics = [#tpu.dimension_semantics<core_parallel>, #tpu.dimension_semantics<subcore_parallel>], iteration_bounds = array<i64: 2, 16>, scalar_prefetch = 0 : i64, scratch_operands = 13 : i64, tpu.core_type = #tpu.core_type<sc_vector_subcore>, window_params = [{transform_indices = #map}, {transform_indices = #map1}, {transform_indices = #map1}]} {
    %mul3A = arith.constant 2 : i32
    %mul3A_0 = arith.muli %arg1, %mul3A : i32
    %add3A = arith.addi %mul3A_0, %arg0 : i32
    %mul3A_1 = arith.constant 13312 : i32
    %mul3A_2 = arith.muli %add3A, %mul3A_1 : i32
    "tpu.region"() ({
      %run_scoped3A = tpu.sem_alloc : memref<!tpu.dma_semaphore, #tpu.memory_space<semaphore_mem>>
      %dma_start3A_321 = tpu.memref_slice %arg2[%mul3A_2] : memref<425984xi32, #tpu.memory_space<hbm>> -> memref<13312xi32, #tpu.memory_space<hbm>>
      %dma_start3A_322 = tpu.memref_slice %arg2[%mul3A_2] : memref<425984xi32, #tpu.memory_space<hbm>> -> memref<13312xi32, #tpu.memory_space<hbm>>
      tpu.enqueue_dma source(%dma_start3A_322 : memref<13312xi32, #tpu.memory_space<hbm>>) target(%arg5 : memref<13312xi32, #tpu.memory_space<vmem>>) target_semaphore(%run_scoped3A : memref<!tpu.dma_semaphore, #tpu.memory_space<semaphore_mem>>)
      %dma_wait3A_323 = tpu.memref_slice %arg2[%mul3A_2] : memref<425984xi32, #tpu.memory_space<hbm>> -> memref<13312xi32, #tpu.memory_space<hbm>>
      %dma_wait3A_324 = tpu.memref_slice %arg2[%mul3A_2] : memref<425984xi32, #tpu.memory_space<hbm>> -> memref<13312xi32, #tpu.memory_space<hbm>>
      tpu.wait_dma2 semaphore(%run_scoped3A : memref<!tpu.dma_semaphore, #tpu.memory_space<semaphore_mem>>) src(%dma_wait3A_324 : memref<13312xi32, #tpu.memory_space<hbm>>) dst(%arg5 : memref<13312xi32, #tpu.memory_space<vmem>>)
      tpu.yield
    }) : () -> ()
    %dma_start3A = arith.constant 0 : i32
    %dma_start3A_3 = tpu.memref_slice %arg5[%dma_start3A] : memref<13312xi32, #tpu.memory_space<vmem>> -> memref<832xi32, #tpu.memory_space<vmem>>
    %dma_start3A_4 = arith.constant 0 : i32
    %dma_start3A_5 = arith.constant 0 : i32
    %dma_start3A_6 = tpu.memref_slice %arg3[%dma_start3A_4, %dma_start3A_5] : memref<1000000x32xf32, #tpu.memory_space<hbm>> -> memref<1000000x32xf32, #tpu.memory_space<hbm>>
    tpu.enqueue_indirect_dma source(%dma_start3A_6 : memref<1000000x32xf32, #tpu.memory_space<hbm>>) target(%arg6 : memref<832x32xf32, #tpu.memory_space<vmem>>) offsets(%dma_start3A_3 : memref<832xi32, #tpu.memory_space<vmem>>) semaphore(%arg10 : memref<!tpu.dma_semaphore, #tpu.memory_space<semaphore_mem>>)
    %dma_start3A_7 = arith.constant 832 : i32
    %dma_start3A_8 = tpu.memref_slice %arg5[%dma_start3A_7] : memref<13312xi32, #tpu.memory_space<vmem>> -> memref<832xi32, #tpu.memory_space<vmem>>
    %dma_start3A_9 = arith.constant 0 : i32
    %dma_start3A_10 = arith.constant 0 : i32
    %dma_start3A_11 = tpu.memref_slice %arg3[%dma_start3A_9, %dma_start3A_10] : memref<1000000x32xf32, #tpu.memory_space<hbm>> -> memref<1000000x32xf32, #tpu.memory_space<hbm>>
    tpu.enqueue_indirect_dma source(%dma_start3A_11 : memref<1000000x32xf32, #tpu.memory_space<hbm>>) target(%arg7 : memref<832x32xf32, #tpu.memory_space<vmem>>) offsets(%dma_start3A_8 : memref<832xi32, #tpu.memory_space<vmem>>) semaphore(%arg11 : memref<!tpu.dma_semaphore, #tpu.memory_space<semaphore_mem>>)
    %dma_start3A_12 = arith.constant 1664 : i32
    %dma_start3A_13 = tpu.memref_slice %arg5[%dma_start3A_12] : memref<13312xi32, #tpu.memory_space<vmem>> -> memref<832xi32, #tpu.memory_space<vmem>>
    %dma_start3A_14 = arith.constant 0 : i32
    %dma_start3A_15 = arith.constant 0 : i32
    %dma_start3A_16 = tpu.memref_slice %arg3[%dma_start3A_14, %dma_start3A_15] : memref<1000000x32xf32, #tpu.memory_space<hbm>> -> memref<1000000x32xf32, #tpu.memory_space<hbm>>
    tpu.enqueue_indirect_dma source(%dma_start3A_16 : memref<1000000x32xf32, #tpu.memory_space<hbm>>) target(%arg8 : memref<832x32xf32, #tpu.memory_space<vmem>>) offsets(%dma_start3A_13 : memref<832xi32, #tpu.memory_space<vmem>>) semaphore(%arg12 : memref<!tpu.dma_semaphore, #tpu.memory_space<semaphore_mem>>)
    %dma_wait3A = arith.constant 0 : i32
    %dma_wait3A_17 = tpu.memref_slice %arg5[%dma_wait3A] : memref<13312xi32, #tpu.memory_space<vmem>> -> memref<832xi32, #tpu.memory_space<vmem>>
    %dma_wait3A_18 = arith.constant 0 : i32
    %dma_wait3A_19 = arith.constant 0 : i32
    %dma_wait3A_20 = tpu.memref_slice %arg3[%dma_wait3A_18, %dma_wait3A_19] : memref<1000000x32xf32, #tpu.memory_space<hbm>> -> memref<1000000x32xf32, #tpu.memory_space<hbm>>
    tpu.wait_indirect_dma semaphore(%arg10 : memref<!tpu.dma_semaphore, #tpu.memory_space<semaphore_mem>>) src(%dma_wait3A_20 : memref<1000000x32xf32, #tpu.memory_space<hbm>>) dst(%arg6 : memref<832x32xf32, #tpu.memory_space<vmem>>)
    %dma_start3A_21 = arith.constant 2496 : i32
    %dma_start3A_22 = tpu.memref_slice %arg5[%dma_start3A_21] : memref<13312xi32, #tpu.memory_space<vmem>> -> memref<832xi32, #tpu.memory_space<vmem>>
    %dma_start3A_23 = arith.constant 0 : i32
    %dma_start3A_24 = arith.constant 0 : i32
    %dma_start3A_25 = tpu.memref_slice %arg3[%dma_start3A_23, %dma_start3A_24] : memref<1000000x32xf32, #tpu.memory_space<hbm>> -> memref<1000000x32xf32, #tpu.memory_space<hbm>>
    tpu.enqueue_indirect_dma source(%dma_start3A_25 : memref<1000000x32xf32, #tpu.memory_space<hbm>>) target(%arg9 : memref<832x32xf32, #tpu.memory_space<vmem>>) offsets(%dma_start3A_22 : memref<832xi32, #tpu.memory_space<vmem>>) semaphore(%arg13 : memref<!tpu.dma_semaphore, #tpu.memory_space<semaphore_mem>>)
    %add3A_26 = arith.constant 0 : i32
    %add3A_27 = arith.addi %mul3A_2, %add3A_26 : i32
    %dma_start3A_28 = arith.constant 0 : i32
    %dma_start3A_29 = tpu.memref_slice %arg4[%add3A_27, %dma_start3A_28] : memref<425984x32xf32, #tpu.memory_space<hbm>> -> memref<832x32xf32, #tpu.memory_space<hbm>>
    %dma_start3A_30 = arith.constant 0 : i32
    %dma_start3A_31 = tpu.memref_slice %arg4[%add3A_27, %dma_start3A_30] : memref<425984x32xf32, #tpu.memory_space<hbm>> -> memref<832x32xf32, #tpu.memory_space<hbm>>
    tpu.enqueue_dma source(%arg6 : memref<832x32xf32, #tpu.memory_space<vmem>>) target(%dma_start3A_31 : memref<832x32xf32, #tpu.memory_space<hbm>>) target_semaphore(%arg14 : memref<!tpu.dma_semaphore, #tpu.memory_space<semaphore_mem>>)
    %dma_wait3A_32 = arith.constant 832 : i32
    %dma_wait3A_33 = tpu.memref_slice %arg5[%dma_wait3A_32] : memref<13312xi32, #tpu.memory_space<vmem>> -> memref<832xi32, #tpu.memory_space<vmem>>
    %dma_wait3A_34 = arith.constant 0 : i32
    %dma_wait3A_35 = arith.constant 0 : i32
    %dma_wait3A_36 = tpu.memref_slice %arg3[%dma_wait3A_34, %dma_wait3A_35] : memref<1000000x32xf32, #tpu.memory_space<hbm>> -> memref<1000000x32xf32, #tpu.memory_space<hbm>>
    tpu.wait_indirect_dma semaphore(%arg11 : memref<!tpu.dma_semaphore, #tpu.memory_space<semaphore_mem>>) src(%dma_wait3A_36 : memref<1000000x32xf32, #tpu.memory_space<hbm>>) dst(%arg7 : memref<832x32xf32, #tpu.memory_space<vmem>>)
    %dma_wait3A_37 = arith.constant 0 : i32
    %dma_wait3A_38 = tpu.memref_slice %arg4[%add3A_27, %dma_wait3A_37] : memref<425984x32xf32, #tpu.memory_space<hbm>> -> memref<832x32xf32, #tpu.memory_space<hbm>>
    %dma_wait3A_39 = arith.constant 0 : i32
    %dma_wait3A_40 = tpu.memref_slice %arg4[%add3A_27, %dma_wait3A_39] : memref<425984x32xf32, #tpu.memory_space<hbm>> -> memref<832x32xf32, #tpu.memory_space<hbm>>
    tpu.wait_dma2 semaphore(%arg14 : memref<!tpu.dma_semaphore, #tpu.memory_space<semaphore_mem>>) src(%arg6 : memref<832x32xf32, #tpu.memory_space<vmem>>) dst(%dma_wait3A_40 : memref<832x32xf32, #tpu.memory_space<hbm>>)
    %dma_start3A_41 = arith.constant 3328 : i32
    %dma_start3A_42 = tpu.memref_slice %arg5[%dma_start3A_41] : memref<13312xi32, #tpu.memory_space<vmem>> -> memref<832xi32, #tpu.memory_space<vmem>>
    %dma_start3A_43 = arith.constant 0 : i32
    %dma_start3A_44 = arith.constant 0 : i32
    %dma_start3A_45 = tpu.memref_slice %arg3[%dma_start3A_43, %dma_start3A_44] : memref<1000000x32xf32, #tpu.memory_space<hbm>> -> memref<1000000x32xf32, #tpu.memory_space<hbm>>
    tpu.enqueue_indirect_dma source(%dma_start3A_45 : memref<1000000x32xf32, #tpu.memory_space<hbm>>) target(%arg6 : memref<832x32xf32, #tpu.memory_space<vmem>>) offsets(%dma_start3A_42 : memref<832xi32, #tpu.memory_space<vmem>>) semaphore(%arg10 : memref<!tpu.dma_semaphore, #tpu.memory_space<semaphore_mem>>)
    %add3A_46 = arith.constant 832 : i32
    %add3A_47 = arith.addi %mul3A_2, %add3A_46 : i32
    %dma_start3A_48 = arith.constant 0 : i32
    %dma_start3A_49 = tpu.memref_slice %arg4[%add3A_47, %dma_start3A_48] : memref<425984x32xf32, #tpu.memory_space<hbm>> -> memref<832x32xf32, #tpu.memory_space<hbm>>
    %dma_start3A_50 = arith.constant 0 : i32
    %dma_start3A_51 = tpu.memref_slice %arg4[%add3A_47, %dma_start3A_50] : memref<425984x32xf32, #tpu.memory_space<hbm>> -> memref<832x32xf32, #tpu.memory_space<hbm>>
    tpu.enqueue_dma source(%arg7 : memref<832x32xf32, #tpu.memory_space<vmem>>) target(%dma_start3A_51 : memref<832x32xf32, #tpu.memory_space<hbm>>) target_semaphore(%arg15 : memref<!tpu.dma_semaphore, #tpu.memory_space<semaphore_mem>>)
    %dma_wait3A_52 = arith.constant 1664 : i32
    %dma_wait3A_53 = tpu.memref_slice %arg5[%dma_wait3A_52] : memref<13312xi32, #tpu.memory_space<vmem>> -> memref<832xi32, #tpu.memory_space<vmem>>
    %dma_wait3A_54 = arith.constant 0 : i32
    %dma_wait3A_55 = arith.constant 0 : i32
    %dma_wait3A_56 = tpu.memref_slice %arg3[%dma_wait3A_54, %dma_wait3A_55] : memref<1000000x32xf32, #tpu.memory_space<hbm>> -> memref<1000000x32xf32, #tpu.memory_space<hbm>>
    tpu.wait_indirect_dma semaphore(%arg12 : memref<!tpu.dma_semaphore, #tpu.memory_space<semaphore_mem>>) src(%dma_wait3A_56 : memref<1000000x32xf32, #tpu.memory_space<hbm>>) dst(%arg8 : memref<832x32xf32, #tpu.memory_space<vmem>>)
    %dma_wait3A_57 = arith.constant 0 : i32
    %dma_wait3A_58 = tpu.memref_slice %arg4[%add3A_47, %dma_wait3A_57] : memref<425984x32xf32, #tpu.memory_space<hbm>> -> memref<832x32xf32, #tpu.memory_space<hbm>>
    %dma_wait3A_59 = arith.constant 0 : i32
    %dma_wait3A_60 = tpu.memref_slice %arg4[%add3A_47, %dma_wait3A_59] : memref<425984x32xf32, #tpu.memory_space<hbm>> -> memref<832x32xf32, #tpu.memory_space<hbm>>
    tpu.wait_dma2 semaphore(%arg15 : memref<!tpu.dma_semaphore, #tpu.memory_space<semaphore_mem>>) src(%arg7 : memref<832x32xf32, #tpu.memory_space<vmem>>) dst(%dma_wait3A_60 : memref<832x32xf32, #tpu.memory_space<hbm>>)
    %dma_start3A_61 = arith.constant 4160 : i32
    %dma_start3A_62 = tpu.memref_slice %arg5[%dma_start3A_61] : memref<13312xi32, #tpu.memory_space<vmem>> -> memref<832xi32, #tpu.memory_space<vmem>>
    %dma_start3A_63 = arith.constant 0 : i32
    %dma_start3A_64 = arith.constant 0 : i32
    %dma_start3A_65 = tpu.memref_slice %arg3[%dma_start3A_63, %dma_start3A_64] : memref<1000000x32xf32, #tpu.memory_space<hbm>> -> memref<1000000x32xf32, #tpu.memory_space<hbm>>
    tpu.enqueue_indirect_dma source(%dma_start3A_65 : memref<1000000x32xf32, #tpu.memory_space<hbm>>) target(%arg7 : memref<832x32xf32, #tpu.memory_space<vmem>>) offsets(%dma_start3A_62 : memref<832xi32, #tpu.memory_space<vmem>>) semaphore(%arg11 : memref<!tpu.dma_semaphore, #tpu.memory_space<semaphore_mem>>)
    %add3A_66 = arith.constant 1664 : i32
    %add3A_67 = arith.addi %mul3A_2, %add3A_66 : i32
    %dma_start3A_68 = arith.constant 0 : i32
    %dma_start3A_69 = tpu.memref_slice %arg4[%add3A_67, %dma_start3A_68] : memref<425984x32xf32, #tpu.memory_space<hbm>> -> memref<832x32xf32, #tpu.memory_space<hbm>>
    %dma_start3A_70 = arith.constant 0 : i32
    %dma_start3A_71 = tpu.memref_slice %arg4[%add3A_67, %dma_start3A_70] : memref<425984x32xf32, #tpu.memory_space<hbm>> -> memref<832x32xf32, #tpu.memory_space<hbm>>
    tpu.enqueue_dma source(%arg8 : memref<832x32xf32, #tpu.memory_space<vmem>>) target(%dma_start3A_71 : memref<832x32xf32, #tpu.memory_space<hbm>>) target_semaphore(%arg16 : memref<!tpu.dma_semaphore, #tpu.memory_space<semaphore_mem>>)
    %dma_wait3A_72 = arith.constant 2496 : i32
    %dma_wait3A_73 = tpu.memref_slice %arg5[%dma_wait3A_72] : memref<13312xi32, #tpu.memory_space<vmem>> -> memref<832xi32, #tpu.memory_space<vmem>>
    %dma_wait3A_74 = arith.constant 0 : i32
    %dma_wait3A_75 = arith.constant 0 : i32
    %dma_wait3A_76 = tpu.memref_slice %arg3[%dma_wait3A_74, %dma_wait3A_75] : memref<1000000x32xf32, #tpu.memory_space<hbm>> -> memref<1000000x32xf32, #tpu.memory_space<hbm>>
    tpu.wait_indirect_dma semaphore(%arg13 : memref<!tpu.dma_semaphore, #tpu.memory_space<semaphore_mem>>) src(%dma_wait3A_76 : memref<1000000x32xf32, #tpu.memory_space<hbm>>) dst(%arg9 : memref<832x32xf32, #tpu.memory_space<vmem>>)
    %dma_wait3A_77 = arith.constant 0 : i32
    %dma_wait3A_78 = tpu.memref_slice %arg4[%add3A_67, %dma_wait3A_77] : memref<425984x32xf32, #tpu.memory_space<hbm>> -> memref<832x32xf32, #tpu.memory_space<hbm>>
    %dma_wait3A_79 = arith.constant 0 : i32
    %dma_wait3A_80 = tpu.memref_slice %arg4[%add3A_67, %dma_wait3A_79] : memref<425984x32xf32, #tpu.memory_space<hbm>> -> memref<832x32xf32, #tpu.memory_space<hbm>>
    tpu.wait_dma2 semaphore(%arg16 : memref<!tpu.dma_semaphore, #tpu.memory_space<semaphore_mem>>) src(%arg8 : memref<832x32xf32, #tpu.memory_space<vmem>>) dst(%dma_wait3A_80 : memref<832x32xf32, #tpu.memory_space<hbm>>)
    %dma_start3A_81 = arith.constant 4992 : i32
    %dma_start3A_82 = tpu.memref_slice %arg5[%dma_start3A_81] : memref<13312xi32, #tpu.memory_space<vmem>> -> memref<832xi32, #tpu.memory_space<vmem>>
    %dma_start3A_83 = arith.constant 0 : i32
    %dma_start3A_84 = arith.constant 0 : i32
    %dma_start3A_85 = tpu.memref_slice %arg3[%dma_start3A_83, %dma_start3A_84] : memref<1000000x32xf32, #tpu.memory_space<hbm>> -> memref<1000000x32xf32, #tpu.memory_space<hbm>>
    tpu.enqueue_indirect_dma source(%dma_start3A_85 : memref<1000000x32xf32, #tpu.memory_space<hbm>>) target(%arg8 : memref<832x32xf32, #tpu.memory_space<vmem>>) offsets(%dma_start3A_82 : memref<832xi32, #tpu.memory_space<vmem>>) semaphore(%arg12 : memref<!tpu.dma_semaphore, #tpu.memory_space<semaphore_mem>>)
    %add3A_86 = arith.constant 2496 : i32
    %add3A_87 = arith.addi %mul3A_2, %add3A_86 : i32
    %dma_start3A_88 = arith.constant 0 : i32
    %dma_start3A_89 = tpu.memref_slice %arg4[%add3A_87, %dma_start3A_88] : memref<425984x32xf32, #tpu.memory_space<hbm>> -> memref<832x32xf32, #tpu.memory_space<hbm>>
    %dma_start3A_90 = arith.constant 0 : i32
    %dma_start3A_91 = tpu.memref_slice %arg4[%add3A_87, %dma_start3A_90] : memref<425984x32xf32, #tpu.memory_space<hbm>> -> memref<832x32xf32, #tpu.memory_space<hbm>>
    tpu.enqueue_dma source(%arg9 : memref<832x32xf32, #tpu.memory_space<vmem>>) target(%dma_start3A_91 : memref<832x32xf32, #tpu.memory_space<hbm>>) target_semaphore(%arg17 : memref<!tpu.dma_semaphore, #tpu.memory_space<semaphore_mem>>)
    %dma_wait3A_92 = arith.constant 3328 : i32
    %dma_wait3A_93 = tpu.memref_slice %arg5[%dma_wait3A_92] : memref<13312xi32, #tpu.memory_space<vmem>> -> memref<832xi32, #tpu.memory_space<vmem>>
    %dma_wait3A_94 = arith.constant 0 : i32
    %dma_wait3A_95 = arith.constant 0 : i32
    %dma_wait3A_96 = tpu.memref_slice %arg3[%dma_wait3A_94, %dma_wait3A_95] : memref<1000000x32xf32, #tpu.memory_space<hbm>> -> memref<1000000x32xf32, #tpu.memory_space<hbm>>
    tpu.wait_indirect_dma semaphore(%arg10 : memref<!tpu.dma_semaphore, #tpu.memory_space<semaphore_mem>>) src(%dma_wait3A_96 : memref<1000000x32xf32, #tpu.memory_space<hbm>>) dst(%arg6 : memref<832x32xf32, #tpu.memory_space<vmem>>)
    %dma_wait3A_97 = arith.constant 0 : i32
    %dma_wait3A_98 = tpu.memref_slice %arg4[%add3A_87, %dma_wait3A_97] : memref<425984x32xf32, #tpu.memory_space<hbm>> -> memref<832x32xf32, #tpu.memory_space<hbm>>
    %dma_wait3A_99 = arith.constant 0 : i32
    %dma_wait3A_100 = tpu.memref_slice %arg4[%add3A_87, %dma_wait3A_99] : memref<425984x32xf32, #tpu.memory_space<hbm>> -> memref<832x32xf32, #tpu.memory_space<hbm>>
    tpu.wait_dma2 semaphore(%arg17 : memref<!tpu.dma_semaphore, #tpu.memory_space<semaphore_mem>>) src(%arg9 : memref<832x32xf32, #tpu.memory_space<vmem>>) dst(%dma_wait3A_100 : memref<832x32xf32, #tpu.memory_space<hbm>>)
    %dma_start3A_101 = arith.constant 5824 : i32
    %dma_start3A_102 = tpu.memref_slice %arg5[%dma_start3A_101] : memref<13312xi32, #tpu.memory_space<vmem>> -> memref<832xi32, #tpu.memory_space<vmem>>
    %dma_start3A_103 = arith.constant 0 : i32
    %dma_start3A_104 = arith.constant 0 : i32
    %dma_start3A_105 = tpu.memref_slice %arg3[%dma_start3A_103, %dma_start3A_104] : memref<1000000x32xf32, #tpu.memory_space<hbm>> -> memref<1000000x32xf32, #tpu.memory_space<hbm>>
    tpu.enqueue_indirect_dma source(%dma_start3A_105 : memref<1000000x32xf32, #tpu.memory_space<hbm>>) target(%arg9 : memref<832x32xf32, #tpu.memory_space<vmem>>) offsets(%dma_start3A_102 : memref<832xi32, #tpu.memory_space<vmem>>) semaphore(%arg13 : memref<!tpu.dma_semaphore, #tpu.memory_space<semaphore_mem>>)
    %add3A_106 = arith.constant 3328 : i32
    %add3A_107 = arith.addi %mul3A_2, %add3A_106 : i32
    %dma_start3A_108 = arith.constant 0 : i32
    %dma_start3A_109 = tpu.memref_slice %arg4[%add3A_107, %dma_start3A_108] : memref<425984x32xf32, #tpu.memory_space<hbm>> -> memref<832x32xf32, #tpu.memory_space<hbm>>
    %dma_start3A_110 = arith.constant 0 : i32
    %dma_start3A_111 = tpu.memref_slice %arg4[%add3A_107, %dma_start3A_110] : memref<425984x32xf32, #tpu.memory_space<hbm>> -> memref<832x32xf32, #tpu.memory_space<hbm>>
    tpu.enqueue_dma source(%arg6 : memref<832x32xf32, #tpu.memory_space<vmem>>) target(%dma_start3A_111 : memref<832x32xf32, #tpu.memory_space<hbm>>) target_semaphore(%arg14 : memref<!tpu.dma_semaphore, #tpu.memory_space<semaphore_mem>>)
    %dma_wait3A_112 = arith.constant 4160 : i32
    %dma_wait3A_113 = tpu.memref_slice %arg5[%dma_wait3A_112] : memref<13312xi32, #tpu.memory_space<vmem>> -> memref<832xi32, #tpu.memory_space<vmem>>
    %dma_wait3A_114 = arith.constant 0 : i32
    %dma_wait3A_115 = arith.constant 0 : i32
    %dma_wait3A_116 = tpu.memref_slice %arg3[%dma_wait3A_114, %dma_wait3A_115] : memref<1000000x32xf32, #tpu.memory_space<hbm>> -> memref<1000000x32xf32, #tpu.memory_space<hbm>>
    tpu.wait_indirect_dma semaphore(%arg11 : memref<!tpu.dma_semaphore, #tpu.memory_space<semaphore_mem>>) src(%dma_wait3A_116 : memref<1000000x32xf32, #tpu.memory_space<hbm>>) dst(%arg7 : memref<832x32xf32, #tpu.memory_space<vmem>>)
    %dma_wait3A_117 = arith.constant 0 : i32
    %dma_wait3A_118 = tpu.memref_slice %arg4[%add3A_107, %dma_wait3A_117] : memref<425984x32xf32, #tpu.memory_space<hbm>> -> memref<832x32xf32, #tpu.memory_space<hbm>>
    %dma_wait3A_119 = arith.constant 0 : i32
    %dma_wait3A_120 = tpu.memref_slice %arg4[%add3A_107, %dma_wait3A_119] : memref<425984x32xf32, #tpu.memory_space<hbm>> -> memref<832x32xf32, #tpu.memory_space<hbm>>
    tpu.wait_dma2 semaphore(%arg14 : memref<!tpu.dma_semaphore, #tpu.memory_space<semaphore_mem>>) src(%arg6 : memref<832x32xf32, #tpu.memory_space<vmem>>) dst(%dma_wait3A_120 : memref<832x32xf32, #tpu.memory_space<hbm>>)
    %dma_start3A_121 = arith.constant 6656 : i32
    %dma_start3A_122 = tpu.memref_slice %arg5[%dma_start3A_121] : memref<13312xi32, #tpu.memory_space<vmem>> -> memref<832xi32, #tpu.memory_space<vmem>>
    %dma_start3A_123 = arith.constant 0 : i32
    %dma_start3A_124 = arith.constant 0 : i32
    %dma_start3A_125 = tpu.memref_slice %arg3[%dma_start3A_123, %dma_start3A_124] : memref<1000000x32xf32, #tpu.memory_space<hbm>> -> memref<1000000x32xf32, #tpu.memory_space<hbm>>
    tpu.enqueue_indirect_dma source(%dma_start3A_125 : memref<1000000x32xf32, #tpu.memory_space<hbm>>) target(%arg6 : memref<832x32xf32, #tpu.memory_space<vmem>>) offsets(%dma_start3A_122 : memref<832xi32, #tpu.memory_space<vmem>>) semaphore(%arg10 : memref<!tpu.dma_semaphore, #tpu.memory_space<semaphore_mem>>)
    %add3A_126 = arith.constant 4160 : i32
    %add3A_127 = arith.addi %mul3A_2, %add3A_126 : i32
    %dma_start3A_128 = arith.constant 0 : i32
    %dma_start3A_129 = tpu.memref_slice %arg4[%add3A_127, %dma_start3A_128] : memref<425984x32xf32, #tpu.memory_space<hbm>> -> memref<832x32xf32, #tpu.memory_space<hbm>>
    %dma_start3A_130 = arith.constant 0 : i32
    %dma_start3A_131 = tpu.memref_slice %arg4[%add3A_127, %dma_start3A_130] : memref<425984x32xf32, #tpu.memory_space<hbm>> -> memref<832x32xf32, #tpu.memory_space<hbm>>
    tpu.enqueue_dma source(%arg7 : memref<832x32xf32, #tpu.memory_space<vmem>>) target(%dma_start3A_131 : memref<832x32xf32, #tpu.memory_space<hbm>>) target_semaphore(%arg15 : memref<!tpu.dma_semaphore, #tpu.memory_space<semaphore_mem>>)
    %dma_wait3A_132 = arith.constant 4992 : i32
    %dma_wait3A_133 = tpu.memref_slice %arg5[%dma_wait3A_132] : memref<13312xi32, #tpu.memory_space<vmem>> -> memref<832xi32, #tpu.memory_space<vmem>>
    %dma_wait3A_134 = arith.constant 0 : i32
    %dma_wait3A_135 = arith.constant 0 : i32
    %dma_wait3A_136 = tpu.memref_slice %arg3[%dma_wait3A_134, %dma_wait3A_135] : memref<1000000x32xf32, #tpu.memory_space<hbm>> -> memref<1000000x32xf32, #tpu.memory_space<hbm>>
    tpu.wait_indirect_dma semaphore(%arg12 : memref<!tpu.dma_semaphore, #tpu.memory_space<semaphore_mem>>) src(%dma_wait3A_136 : memref<1000000x32xf32, #tpu.memory_space<hbm>>) dst(%arg8 : memref<832x32xf32, #tpu.memory_space<vmem>>)
    %dma_wait3A_137 = arith.constant 0 : i32
    %dma_wait3A_138 = tpu.memref_slice %arg4[%add3A_127, %dma_wait3A_137] : memref<425984x32xf32, #tpu.memory_space<hbm>> -> memref<832x32xf32, #tpu.memory_space<hbm>>
    %dma_wait3A_139 = arith.constant 0 : i32
    %dma_wait3A_140 = tpu.memref_slice %arg4[%add3A_127, %dma_wait3A_139] : memref<425984x32xf32, #tpu.memory_space<hbm>> -> memref<832x32xf32, #tpu.memory_space<hbm>>
    tpu.wait_dma2 semaphore(%arg15 : memref<!tpu.dma_semaphore, #tpu.memory_space<semaphore_mem>>) src(%arg7 : memref<832x32xf32, #tpu.memory_space<vmem>>) dst(%dma_wait3A_140 : memref<832x32xf32, #tpu.memory_space<hbm>>)
    %dma_start3A_141 = arith.constant 7488 : i32
    %dma_start3A_142 = tpu.memref_slice %arg5[%dma_start3A_141] : memref<13312xi32, #tpu.memory_space<vmem>> -> memref<832xi32, #tpu.memory_space<vmem>>
    %dma_start3A_143 = arith.constant 0 : i32
    %dma_start3A_144 = arith.constant 0 : i32
    %dma_start3A_145 = tpu.memref_slice %arg3[%dma_start3A_143, %dma_start3A_144] : memref<1000000x32xf32, #tpu.memory_space<hbm>> -> memref<1000000x32xf32, #tpu.memory_space<hbm>>
    tpu.enqueue_indirect_dma source(%dma_start3A_145 : memref<1000000x32xf32, #tpu.memory_space<hbm>>) target(%arg7 : memref<832x32xf32, #tpu.memory_space<vmem>>) offsets(%dma_start3A_142 : memref<832xi32, #tpu.memory_space<vmem>>) semaphore(%arg11 : memref<!tpu.dma_semaphore, #tpu.memory_space<semaphore_mem>>)
    %add3A_146 = arith.constant 4992 : i32
    %add3A_147 = arith.addi %mul3A_2, %add3A_146 : i32
    %dma_start3A_148 = arith.constant 0 : i32
    %dma_start3A_149 = tpu.memref_slice %arg4[%add3A_147, %dma_start3A_148] : memref<425984x32xf32, #tpu.memory_space<hbm>> -> memref<832x32xf32, #tpu.memory_space<hbm>>
    %dma_start3A_150 = arith.constant 0 : i32
    %dma_start3A_151 = tpu.memref_slice %arg4[%add3A_147, %dma_start3A_150] : memref<425984x32xf32, #tpu.memory_space<hbm>> -> memref<832x32xf32, #tpu.memory_space<hbm>>
    tpu.enqueue_dma source(%arg8 : memref<832x32xf32, #tpu.memory_space<vmem>>) target(%dma_start3A_151 : memref<832x32xf32, #tpu.memory_space<hbm>>) target_semaphore(%arg16 : memref<!tpu.dma_semaphore, #tpu.memory_space<semaphore_mem>>)
    %dma_wait3A_152 = arith.constant 5824 : i32
    %dma_wait3A_153 = tpu.memref_slice %arg5[%dma_wait3A_152] : memref<13312xi32, #tpu.memory_space<vmem>> -> memref<832xi32, #tpu.memory_space<vmem>>
    %dma_wait3A_154 = arith.constant 0 : i32
    %dma_wait3A_155 = arith.constant 0 : i32
    %dma_wait3A_156 = tpu.memref_slice %arg3[%dma_wait3A_154, %dma_wait3A_155] : memref<1000000x32xf32, #tpu.memory_space<hbm>> -> memref<1000000x32xf32, #tpu.memory_space<hbm>>
    tpu.wait_indirect_dma semaphore(%arg13 : memref<!tpu.dma_semaphore, #tpu.memory_space<semaphore_mem>>) src(%dma_wait3A_156 : memref<1000000x32xf32, #tpu.memory_space<hbm>>) dst(%arg9 : memref<832x32xf32, #tpu.memory_space<vmem>>)
    %dma_wait3A_157 = arith.constant 0 : i32
    %dma_wait3A_158 = tpu.memref_slice %arg4[%add3A_147, %dma_wait3A_157] : memref<425984x32xf32, #tpu.memory_space<hbm>> -> memref<832x32xf32, #tpu.memory_space<hbm>>
    %dma_wait3A_159 = arith.constant 0 : i32
    %dma_wait3A_160 = tpu.memref_slice %arg4[%add3A_147, %dma_wait3A_159] : memref<425984x32xf32, #tpu.memory_space<hbm>> -> memref<832x32xf32, #tpu.memory_space<hbm>>
    tpu.wait_dma2 semaphore(%arg16 : memref<!tpu.dma_semaphore, #tpu.memory_space<semaphore_mem>>) src(%arg8 : memref<832x32xf32, #tpu.memory_space<vmem>>) dst(%dma_wait3A_160 : memref<832x32xf32, #tpu.memory_space<hbm>>)
    %dma_start3A_161 = arith.constant 8320 : i32
    %dma_start3A_162 = tpu.memref_slice %arg5[%dma_start3A_161] : memref<13312xi32, #tpu.memory_space<vmem>> -> memref<832xi32, #tpu.memory_space<vmem>>
    %dma_start3A_163 = arith.constant 0 : i32
    %dma_start3A_164 = arith.constant 0 : i32
    %dma_start3A_165 = tpu.memref_slice %arg3[%dma_start3A_163, %dma_start3A_164] : memref<1000000x32xf32, #tpu.memory_space<hbm>> -> memref<1000000x32xf32, #tpu.memory_space<hbm>>
    tpu.enqueue_indirect_dma source(%dma_start3A_165 : memref<1000000x32xf32, #tpu.memory_space<hbm>>) target(%arg8 : memref<832x32xf32, #tpu.memory_space<vmem>>) offsets(%dma_start3A_162 : memref<832xi32, #tpu.memory_space<vmem>>) semaphore(%arg12 : memref<!tpu.dma_semaphore, #tpu.memory_space<semaphore_mem>>)
    %add3A_166 = arith.constant 5824 : i32
    %add3A_167 = arith.addi %mul3A_2, %add3A_166 : i32
    %dma_start3A_168 = arith.constant 0 : i32
    %dma_start3A_169 = tpu.memref_slice %arg4[%add3A_167, %dma_start3A_168] : memref<425984x32xf32, #tpu.memory_space<hbm>> -> memref<832x32xf32, #tpu.memory_space<hbm>>
    %dma_start3A_170 = arith.constant 0 : i32
    %dma_start3A_171 = tpu.memref_slice %arg4[%add3A_167, %dma_start3A_170] : memref<425984x32xf32, #tpu.memory_space<hbm>> -> memref<832x32xf32, #tpu.memory_space<hbm>>
    tpu.enqueue_dma source(%arg9 : memref<832x32xf32, #tpu.memory_space<vmem>>) target(%dma_start3A_171 : memref<832x32xf32, #tpu.memory_space<hbm>>) target_semaphore(%arg17 : memref<!tpu.dma_semaphore, #tpu.memory_space<semaphore_mem>>)
    %dma_wait3A_172 = arith.constant 6656 : i32
    %dma_wait3A_173 = tpu.memref_slice %arg5[%dma_wait3A_172] : memref<13312xi32, #tpu.memory_space<vmem>> -> memref<832xi32, #tpu.memory_space<vmem>>
    %dma_wait3A_174 = arith.constant 0 : i32
    %dma_wait3A_175 = arith.constant 0 : i32
    %dma_wait3A_176 = tpu.memref_slice %arg3[%dma_wait3A_174, %dma_wait3A_175] : memref<1000000x32xf32, #tpu.memory_space<hbm>> -> memref<1000000x32xf32, #tpu.memory_space<hbm>>
    tpu.wait_indirect_dma semaphore(%arg10 : memref<!tpu.dma_semaphore, #tpu.memory_space<semaphore_mem>>) src(%dma_wait3A_176 : memref<1000000x32xf32, #tpu.memory_space<hbm>>) dst(%arg6 : memref<832x32xf32, #tpu.memory_space<vmem>>)
    %dma_wait3A_177 = arith.constant 0 : i32
    %dma_wait3A_178 = tpu.memref_slice %arg4[%add3A_167, %dma_wait3A_177] : memref<425984x32xf32, #tpu.memory_space<hbm>> -> memref<832x32xf32, #tpu.memory_space<hbm>>
    %dma_wait3A_179 = arith.constant 0 : i32
    %dma_wait3A_180 = tpu.memref_slice %arg4[%add3A_167, %dma_wait3A_179] : memref<425984x32xf32, #tpu.memory_space<hbm>> -> memref<832x32xf32, #tpu.memory_space<hbm>>
    tpu.wait_dma2 semaphore(%arg17 : memref<!tpu.dma_semaphore, #tpu.memory_space<semaphore_mem>>) src(%arg9 : memref<832x32xf32, #tpu.memory_space<vmem>>) dst(%dma_wait3A_180 : memref<832x32xf32, #tpu.memory_space<hbm>>)
    %dma_start3A_181 = arith.constant 9152 : i32
    %dma_start3A_182 = tpu.memref_slice %arg5[%dma_start3A_181] : memref<13312xi32, #tpu.memory_space<vmem>> -> memref<832xi32, #tpu.memory_space<vmem>>
    %dma_start3A_183 = arith.constant 0 : i32
    %dma_start3A_184 = arith.constant 0 : i32
    %dma_start3A_185 = tpu.memref_slice %arg3[%dma_start3A_183, %dma_start3A_184] : memref<1000000x32xf32, #tpu.memory_space<hbm>> -> memref<1000000x32xf32, #tpu.memory_space<hbm>>
    tpu.enqueue_indirect_dma source(%dma_start3A_185 : memref<1000000x32xf32, #tpu.memory_space<hbm>>) target(%arg9 : memref<832x32xf32, #tpu.memory_space<vmem>>) offsets(%dma_start3A_182 : memref<832xi32, #tpu.memory_space<vmem>>) semaphore(%arg13 : memref<!tpu.dma_semaphore, #tpu.memory_space<semaphore_mem>>)
    %add3A_186 = arith.constant 6656 : i32
    %add3A_187 = arith.addi %mul3A_2, %add3A_186 : i32
    %dma_start3A_188 = arith.constant 0 : i32
    %dma_start3A_189 = tpu.memref_slice %arg4[%add3A_187, %dma_start3A_188] : memref<425984x32xf32, #tpu.memory_space<hbm>> -> memref<832x32xf32, #tpu.memory_space<hbm>>
    %dma_start3A_190 = arith.constant 0 : i32
    %dma_start3A_191 = tpu.memref_slice %arg4[%add3A_187, %dma_start3A_190] : memref<425984x32xf32, #tpu.memory_space<hbm>> -> memref<832x32xf32, #tpu.memory_space<hbm>>
    tpu.enqueue_dma source(%arg6 : memref<832x32xf32, #tpu.memory_space<vmem>>) target(%dma_start3A_191 : memref<832x32xf32, #tpu.memory_space<hbm>>) target_semaphore(%arg14 : memref<!tpu.dma_semaphore, #tpu.memory_space<semaphore_mem>>)
    %dma_wait3A_192 = arith.constant 7488 : i32
    %dma_wait3A_193 = tpu.memref_slice %arg5[%dma_wait3A_192] : memref<13312xi32, #tpu.memory_space<vmem>> -> memref<832xi32, #tpu.memory_space<vmem>>
    %dma_wait3A_194 = arith.constant 0 : i32
    %dma_wait3A_195 = arith.constant 0 : i32
    %dma_wait3A_196 = tpu.memref_slice %arg3[%dma_wait3A_194, %dma_wait3A_195] : memref<1000000x32xf32, #tpu.memory_space<hbm>> -> memref<1000000x32xf32, #tpu.memory_space<hbm>>
    tpu.wait_indirect_dma semaphore(%arg11 : memref<!tpu.dma_semaphore, #tpu.memory_space<semaphore_mem>>) src(%dma_wait3A_196 : memref<1000000x32xf32, #tpu.memory_space<hbm>>) dst(%arg7 : memref<832x32xf32, #tpu.memory_space<vmem>>)
    %dma_wait3A_197 = arith.constant 0 : i32
    %dma_wait3A_198 = tpu.memref_slice %arg4[%add3A_187, %dma_wait3A_197] : memref<425984x32xf32, #tpu.memory_space<hbm>> -> memref<832x32xf32, #tpu.memory_space<hbm>>
    %dma_wait3A_199 = arith.constant 0 : i32
    %dma_wait3A_200 = tpu.memref_slice %arg4[%add3A_187, %dma_wait3A_199] : memref<425984x32xf32, #tpu.memory_space<hbm>> -> memref<832x32xf32, #tpu.memory_space<hbm>>
    tpu.wait_dma2 semaphore(%arg14 : memref<!tpu.dma_semaphore, #tpu.memory_space<semaphore_mem>>) src(%arg6 : memref<832x32xf32, #tpu.memory_space<vmem>>) dst(%dma_wait3A_200 : memref<832x32xf32, #tpu.memory_space<hbm>>)
    %dma_start3A_201 = arith.constant 9984 : i32
    %dma_start3A_202 = tpu.memref_slice %arg5[%dma_start3A_201] : memref<13312xi32, #tpu.memory_space<vmem>> -> memref<832xi32, #tpu.memory_space<vmem>>
    %dma_start3A_203 = arith.constant 0 : i32
    %dma_start3A_204 = arith.constant 0 : i32
    %dma_start3A_205 = tpu.memref_slice %arg3[%dma_start3A_203, %dma_start3A_204] : memref<1000000x32xf32, #tpu.memory_space<hbm>> -> memref<1000000x32xf32, #tpu.memory_space<hbm>>
    tpu.enqueue_indirect_dma source(%dma_start3A_205 : memref<1000000x32xf32, #tpu.memory_space<hbm>>) target(%arg6 : memref<832x32xf32, #tpu.memory_space<vmem>>) offsets(%dma_start3A_202 : memref<832xi32, #tpu.memory_space<vmem>>) semaphore(%arg10 : memref<!tpu.dma_semaphore, #tpu.memory_space<semaphore_mem>>)
    %add3A_206 = arith.constant 7488 : i32
    %add3A_207 = arith.addi %mul3A_2, %add3A_206 : i32
    %dma_start3A_208 = arith.constant 0 : i32
    %dma_start3A_209 = tpu.memref_slice %arg4[%add3A_207, %dma_start3A_208] : memref<425984x32xf32, #tpu.memory_space<hbm>> -> memref<832x32xf32, #tpu.memory_space<hbm>>
    %dma_start3A_210 = arith.constant 0 : i32
    %dma_start3A_211 = tpu.memref_slice %arg4[%add3A_207, %dma_start3A_210] : memref<425984x32xf32, #tpu.memory_space<hbm>> -> memref<832x32xf32, #tpu.memory_space<hbm>>
    tpu.enqueue_dma source(%arg7 : memref<832x32xf32, #tpu.memory_space<vmem>>) target(%dma_start3A_211 : memref<832x32xf32, #tpu.memory_space<hbm>>) target_semaphore(%arg15 : memref<!tpu.dma_semaphore, #tpu.memory_space<semaphore_mem>>)
    %dma_wait3A_212 = arith.constant 8320 : i32
    %dma_wait3A_213 = tpu.memref_slice %arg5[%dma_wait3A_212] : memref<13312xi32, #tpu.memory_space<vmem>> -> memref<832xi32, #tpu.memory_space<vmem>>
    %dma_wait3A_214 = arith.constant 0 : i32
    %dma_wait3A_215 = arith.constant 0 : i32
    %dma_wait3A_216 = tpu.memref_slice %arg3[%dma_wait3A_214, %dma_wait3A_215] : memref<1000000x32xf32, #tpu.memory_space<hbm>> -> memref<1000000x32xf32, #tpu.memory_space<hbm>>
    tpu.wait_indirect_dma semaphore(%arg12 : memref<!tpu.dma_semaphore, #tpu.memory_space<semaphore_mem>>) src(%dma_wait3A_216 : memref<1000000x32xf32, #tpu.memory_space<hbm>>) dst(%arg8 : memref<832x32xf32, #tpu.memory_space<vmem>>)
    %dma_wait3A_217 = arith.constant 0 : i32
    %dma_wait3A_218 = tpu.memref_slice %arg4[%add3A_207, %dma_wait3A_217] : memref<425984x32xf32, #tpu.memory_space<hbm>> -> memref<832x32xf32, #tpu.memory_space<hbm>>
    %dma_wait3A_219 = arith.constant 0 : i32
    %dma_wait3A_220 = tpu.memref_slice %arg4[%add3A_207, %dma_wait3A_219] : memref<425984x32xf32, #tpu.memory_space<hbm>> -> memref<832x32xf32, #tpu.memory_space<hbm>>
    tpu.wait_dma2 semaphore(%arg15 : memref<!tpu.dma_semaphore, #tpu.memory_space<semaphore_mem>>) src(%arg7 : memref<832x32xf32, #tpu.memory_space<vmem>>) dst(%dma_wait3A_220 : memref<832x32xf32, #tpu.memory_space<hbm>>)
    %dma_start3A_221 = arith.constant 10816 : i32
    %dma_start3A_222 = tpu.memref_slice %arg5[%dma_start3A_221] : memref<13312xi32, #tpu.memory_space<vmem>> -> memref<832xi32, #tpu.memory_space<vmem>>
    %dma_start3A_223 = arith.constant 0 : i32
    %dma_start3A_224 = arith.constant 0 : i32
    %dma_start3A_225 = tpu.memref_slice %arg3[%dma_start3A_223, %dma_start3A_224] : memref<1000000x32xf32, #tpu.memory_space<hbm>> -> memref<1000000x32xf32, #tpu.memory_space<hbm>>
    tpu.enqueue_indirect_dma source(%dma_start3A_225 : memref<1000000x32xf32, #tpu.memory_space<hbm>>) target(%arg7 : memref<832x32xf32, #tpu.memory_space<vmem>>) offsets(%dma_start3A_222 : memref<832xi32, #tpu.memory_space<vmem>>) semaphore(%arg11 : memref<!tpu.dma_semaphore, #tpu.memory_space<semaphore_mem>>)
    %add3A_226 = arith.constant 8320 : i32
    %add3A_227 = arith.addi %mul3A_2, %add3A_226 : i32
    %dma_start3A_228 = arith.constant 0 : i32
    %dma_start3A_229 = tpu.memref_slice %arg4[%add3A_227, %dma_start3A_228] : memref<425984x32xf32, #tpu.memory_space<hbm>> -> memref<832x32xf32, #tpu.memory_space<hbm>>
    %dma_start3A_230 = arith.constant 0 : i32
    %dma_start3A_231 = tpu.memref_slice %arg4[%add3A_227, %dma_start3A_230] : memref<425984x32xf32, #tpu.memory_space<hbm>> -> memref<832x32xf32, #tpu.memory_space<hbm>>
    tpu.enqueue_dma source(%arg8 : memref<832x32xf32, #tpu.memory_space<vmem>>) target(%dma_start3A_231 : memref<832x32xf32, #tpu.memory_space<hbm>>) target_semaphore(%arg16 : memref<!tpu.dma_semaphore, #tpu.memory_space<semaphore_mem>>)
    %dma_wait3A_232 = arith.constant 9152 : i32
    %dma_wait3A_233 = tpu.memref_slice %arg5[%dma_wait3A_232] : memref<13312xi32, #tpu.memory_space<vmem>> -> memref<832xi32, #tpu.memory_space<vmem>>
    %dma_wait3A_234 = arith.constant 0 : i32
    %dma_wait3A_235 = arith.constant 0 : i32
    %dma_wait3A_236 = tpu.memref_slice %arg3[%dma_wait3A_234, %dma_wait3A_235] : memref<1000000x32xf32, #tpu.memory_space<hbm>> -> memref<1000000x32xf32, #tpu.memory_space<hbm>>
    tpu.wait_indirect_dma semaphore(%arg13 : memref<!tpu.dma_semaphore, #tpu.memory_space<semaphore_mem>>) src(%dma_wait3A_236 : memref<1000000x32xf32, #tpu.memory_space<hbm>>) dst(%arg9 : memref<832x32xf32, #tpu.memory_space<vmem>>)
    %dma_wait3A_237 = arith.constant 0 : i32
    %dma_wait3A_238 = tpu.memref_slice %arg4[%add3A_227, %dma_wait3A_237] : memref<425984x32xf32, #tpu.memory_space<hbm>> -> memref<832x32xf32, #tpu.memory_space<hbm>>
    %dma_wait3A_239 = arith.constant 0 : i32
    %dma_wait3A_240 = tpu.memref_slice %arg4[%add3A_227, %dma_wait3A_239] : memref<425984x32xf32, #tpu.memory_space<hbm>> -> memref<832x32xf32, #tpu.memory_space<hbm>>
    tpu.wait_dma2 semaphore(%arg16 : memref<!tpu.dma_semaphore, #tpu.memory_space<semaphore_mem>>) src(%arg8 : memref<832x32xf32, #tpu.memory_space<vmem>>) dst(%dma_wait3A_240 : memref<832x32xf32, #tpu.memory_space<hbm>>)
    %dma_start3A_241 = arith.constant 11648 : i32
    %dma_start3A_242 = tpu.memref_slice %arg5[%dma_start3A_241] : memref<13312xi32, #tpu.memory_space<vmem>> -> memref<832xi32, #tpu.memory_space<vmem>>
    %dma_start3A_243 = arith.constant 0 : i32
    %dma_start3A_244 = arith.constant 0 : i32
    %dma_start3A_245 = tpu.memref_slice %arg3[%dma_start3A_243, %dma_start3A_244] : memref<1000000x32xf32, #tpu.memory_space<hbm>> -> memref<1000000x32xf32, #tpu.memory_space<hbm>>
    tpu.enqueue_indirect_dma source(%dma_start3A_245 : memref<1000000x32xf32, #tpu.memory_space<hbm>>) target(%arg8 : memref<832x32xf32, #tpu.memory_space<vmem>>) offsets(%dma_start3A_242 : memref<832xi32, #tpu.memory_space<vmem>>) semaphore(%arg12 : memref<!tpu.dma_semaphore, #tpu.memory_space<semaphore_mem>>)
    %add3A_246 = arith.constant 9152 : i32
    %add3A_247 = arith.addi %mul3A_2, %add3A_246 : i32
    %dma_start3A_248 = arith.constant 0 : i32
    %dma_start3A_249 = tpu.memref_slice %arg4[%add3A_247, %dma_start3A_248] : memref<425984x32xf32, #tpu.memory_space<hbm>> -> memref<832x32xf32, #tpu.memory_space<hbm>>
    %dma_start3A_250 = arith.constant 0 : i32
    %dma_start3A_251 = tpu.memref_slice %arg4[%add3A_247, %dma_start3A_250] : memref<425984x32xf32, #tpu.memory_space<hbm>> -> memref<832x32xf32, #tpu.memory_space<hbm>>
    tpu.enqueue_dma source(%arg9 : memref<832x32xf32, #tpu.memory_space<vmem>>) target(%dma_start3A_251 : memref<832x32xf32, #tpu.memory_space<hbm>>) target_semaphore(%arg17 : memref<!tpu.dma_semaphore, #tpu.memory_space<semaphore_mem>>)
    %dma_wait3A_252 = arith.constant 9984 : i32
    %dma_wait3A_253 = tpu.memref_slice %arg5[%dma_wait3A_252] : memref<13312xi32, #tpu.memory_space<vmem>> -> memref<832xi32, #tpu.memory_space<vmem>>
    %dma_wait3A_254 = arith.constant 0 : i32
    %dma_wait3A_255 = arith.constant 0 : i32
    %dma_wait3A_256 = tpu.memref_slice %arg3[%dma_wait3A_254, %dma_wait3A_255] : memref<1000000x32xf32, #tpu.memory_space<hbm>> -> memref<1000000x32xf32, #tpu.memory_space<hbm>>
    tpu.wait_indirect_dma semaphore(%arg10 : memref<!tpu.dma_semaphore, #tpu.memory_space<semaphore_mem>>) src(%dma_wait3A_256 : memref<1000000x32xf32, #tpu.memory_space<hbm>>) dst(%arg6 : memref<832x32xf32, #tpu.memory_space<vmem>>)
    %dma_wait3A_257 = arith.constant 0 : i32
    %dma_wait3A_258 = tpu.memref_slice %arg4[%add3A_247, %dma_wait3A_257] : memref<425984x32xf32, #tpu.memory_space<hbm>> -> memref<832x32xf32, #tpu.memory_space<hbm>>
    %dma_wait3A_259 = arith.constant 0 : i32
    %dma_wait3A_260 = tpu.memref_slice %arg4[%add3A_247, %dma_wait3A_259] : memref<425984x32xf32, #tpu.memory_space<hbm>> -> memref<832x32xf32, #tpu.memory_space<hbm>>
    tpu.wait_dma2 semaphore(%arg17 : memref<!tpu.dma_semaphore, #tpu.memory_space<semaphore_mem>>) src(%arg9 : memref<832x32xf32, #tpu.memory_space<vmem>>) dst(%dma_wait3A_260 : memref<832x32xf32, #tpu.memory_space<hbm>>)
    %dma_start3A_261 = arith.constant 12480 : i32
    %dma_start3A_262 = tpu.memref_slice %arg5[%dma_start3A_261] : memref<13312xi32, #tpu.memory_space<vmem>> -> memref<832xi32, #tpu.memory_space<vmem>>
    %dma_start3A_263 = arith.constant 0 : i32
    %dma_start3A_264 = arith.constant 0 : i32
    %dma_start3A_265 = tpu.memref_slice %arg3[%dma_start3A_263, %dma_start3A_264] : memref<1000000x32xf32, #tpu.memory_space<hbm>> -> memref<1000000x32xf32, #tpu.memory_space<hbm>>
    tpu.enqueue_indirect_dma source(%dma_start3A_265 : memref<1000000x32xf32, #tpu.memory_space<hbm>>) target(%arg9 : memref<832x32xf32, #tpu.memory_space<vmem>>) offsets(%dma_start3A_262 : memref<832xi32, #tpu.memory_space<vmem>>) semaphore(%arg13 : memref<!tpu.dma_semaphore, #tpu.memory_space<semaphore_mem>>)
    %add3A_266 = arith.constant 9984 : i32
    %add3A_267 = arith.addi %mul3A_2, %add3A_266 : i32
    %dma_start3A_268 = arith.constant 0 : i32
    %dma_start3A_269 = tpu.memref_slice %arg4[%add3A_267, %dma_start3A_268] : memref<425984x32xf32, #tpu.memory_space<hbm>> -> memref<832x32xf32, #tpu.memory_space<hbm>>
    %dma_start3A_270 = arith.constant 0 : i32
    %dma_start3A_271 = tpu.memref_slice %arg4[%add3A_267, %dma_start3A_270] : memref<425984x32xf32, #tpu.memory_space<hbm>> -> memref<832x32xf32, #tpu.memory_space<hbm>>
    tpu.enqueue_dma source(%arg6 : memref<832x32xf32, #tpu.memory_space<vmem>>) target(%dma_start3A_271 : memref<832x32xf32, #tpu.memory_space<hbm>>) target_semaphore(%arg14 : memref<!tpu.dma_semaphore, #tpu.memory_space<semaphore_mem>>)
    %dma_wait3A_272 = arith.constant 10816 : i32
    %dma_wait3A_273 = tpu.memref_slice %arg5[%dma_wait3A_272] : memref<13312xi32, #tpu.memory_space<vmem>> -> memref<832xi32, #tpu.memory_space<vmem>>
    %dma_wait3A_274 = arith.constant 0 : i32
    %dma_wait3A_275 = arith.constant 0 : i32
    %dma_wait3A_276 = tpu.memref_slice %arg3[%dma_wait3A_274, %dma_wait3A_275] : memref<1000000x32xf32, #tpu.memory_space<hbm>> -> memref<1000000x32xf32, #tpu.memory_space<hbm>>
    tpu.wait_indirect_dma semaphore(%arg11 : memref<!tpu.dma_semaphore, #tpu.memory_space<semaphore_mem>>) src(%dma_wait3A_276 : memref<1000000x32xf32, #tpu.memory_space<hbm>>) dst(%arg7 : memref<832x32xf32, #tpu.memory_space<vmem>>)
    %add3A_277 = arith.constant 10816 : i32
    %add3A_278 = arith.addi %mul3A_2, %add3A_277 : i32
    %dma_start3A_279 = arith.constant 0 : i32
    %dma_start3A_280 = tpu.memref_slice %arg4[%add3A_278, %dma_start3A_279] : memref<425984x32xf32, #tpu.memory_space<hbm>> -> memref<832x32xf32, #tpu.memory_space<hbm>>
    %dma_start3A_281 = arith.constant 0 : i32
    %dma_start3A_282 = tpu.memref_slice %arg4[%add3A_278, %dma_start3A_281] : memref<425984x32xf32, #tpu.memory_space<hbm>> -> memref<832x32xf32, #tpu.memory_space<hbm>>
    tpu.enqueue_dma source(%arg7 : memref<832x32xf32, #tpu.memory_space<vmem>>) target(%dma_start3A_282 : memref<832x32xf32, #tpu.memory_space<hbm>>) target_semaphore(%arg15 : memref<!tpu.dma_semaphore, #tpu.memory_space<semaphore_mem>>)
    %dma_wait3A_283 = arith.constant 11648 : i32
    %dma_wait3A_284 = tpu.memref_slice %arg5[%dma_wait3A_283] : memref<13312xi32, #tpu.memory_space<vmem>> -> memref<832xi32, #tpu.memory_space<vmem>>
    %dma_wait3A_285 = arith.constant 0 : i32
    %dma_wait3A_286 = arith.constant 0 : i32
    %dma_wait3A_287 = tpu.memref_slice %arg3[%dma_wait3A_285, %dma_wait3A_286] : memref<1000000x32xf32, #tpu.memory_space<hbm>> -> memref<1000000x32xf32, #tpu.memory_space<hbm>>
    tpu.wait_indirect_dma semaphore(%arg12 : memref<!tpu.dma_semaphore, #tpu.memory_space<semaphore_mem>>) src(%dma_wait3A_287 : memref<1000000x32xf32, #tpu.memory_space<hbm>>) dst(%arg8 : memref<832x32xf32, #tpu.memory_space<vmem>>)
    %add3A_288 = arith.constant 11648 : i32
    %add3A_289 = arith.addi %mul3A_2, %add3A_288 : i32
    %dma_start3A_290 = arith.constant 0 : i32
    %dma_start3A_291 = tpu.memref_slice %arg4[%add3A_289, %dma_start3A_290] : memref<425984x32xf32, #tpu.memory_space<hbm>> -> memref<832x32xf32, #tpu.memory_space<hbm>>
    %dma_start3A_292 = arith.constant 0 : i32
    %dma_start3A_293 = tpu.memref_slice %arg4[%add3A_289, %dma_start3A_292] : memref<425984x32xf32, #tpu.memory_space<hbm>> -> memref<832x32xf32, #tpu.memory_space<hbm>>
    tpu.enqueue_dma source(%arg8 : memref<832x32xf32, #tpu.memory_space<vmem>>) target(%dma_start3A_293 : memref<832x32xf32, #tpu.memory_space<hbm>>) target_semaphore(%arg16 : memref<!tpu.dma_semaphore, #tpu.memory_space<semaphore_mem>>)
    %dma_wait3A_294 = arith.constant 12480 : i32
    %dma_wait3A_295 = tpu.memref_slice %arg5[%dma_wait3A_294] : memref<13312xi32, #tpu.memory_space<vmem>> -> memref<832xi32, #tpu.memory_space<vmem>>
    %dma_wait3A_296 = arith.constant 0 : i32
    %dma_wait3A_297 = arith.constant 0 : i32
    %dma_wait3A_298 = tpu.memref_slice %arg3[%dma_wait3A_296, %dma_wait3A_297] : memref<1000000x32xf32, #tpu.memory_space<hbm>> -> memref<1000000x32xf32, #tpu.memory_space<hbm>>
    tpu.wait_indirect_dma semaphore(%arg13 : memref<!tpu.dma_semaphore, #tpu.memory_space<semaphore_mem>>) src(%dma_wait3A_298 : memref<1000000x32xf32, #tpu.memory_space<hbm>>) dst(%arg9 : memref<832x32xf32, #tpu.memory_space<vmem>>)
    %add3A_299 = arith.constant 12480 : i32
    %add3A_300 = arith.addi %mul3A_2, %add3A_299 : i32
    %dma_start3A_301 = arith.constant 0 : i32
    %dma_start3A_302 = tpu.memref_slice %arg4[%add3A_300, %dma_start3A_301] : memref<425984x32xf32, #tpu.memory_space<hbm>> -> memref<832x32xf32, #tpu.memory_space<hbm>>
    %dma_start3A_303 = arith.constant 0 : i32
    %dma_start3A_304 = tpu.memref_slice %arg4[%add3A_300, %dma_start3A_303] : memref<425984x32xf32, #tpu.memory_space<hbm>> -> memref<832x32xf32, #tpu.memory_space<hbm>>
    tpu.enqueue_dma source(%arg9 : memref<832x32xf32, #tpu.memory_space<vmem>>) target(%dma_start3A_304 : memref<832x32xf32, #tpu.memory_space<hbm>>) target_semaphore(%arg17 : memref<!tpu.dma_semaphore, #tpu.memory_space<semaphore_mem>>)
    %dma_wait3A_305 = arith.constant 0 : i32
    %dma_wait3A_306 = tpu.memref_slice %arg4[%add3A_267, %dma_wait3A_305] : memref<425984x32xf32, #tpu.memory_space<hbm>> -> memref<832x32xf32, #tpu.memory_space<hbm>>
    %dma_wait3A_307 = arith.constant 0 : i32
    %dma_wait3A_308 = tpu.memref_slice %arg4[%add3A_267, %dma_wait3A_307] : memref<425984x32xf32, #tpu.memory_space<hbm>> -> memref<832x32xf32, #tpu.memory_space<hbm>>
    tpu.wait_dma2 semaphore(%arg14 : memref<!tpu.dma_semaphore, #tpu.memory_space<semaphore_mem>>) src(%arg6 : memref<832x32xf32, #tpu.memory_space<vmem>>) dst(%dma_wait3A_308 : memref<832x32xf32, #tpu.memory_space<hbm>>)
    %dma_wait3A_309 = arith.constant 0 : i32
    %dma_wait3A_310 = tpu.memref_slice %arg4[%add3A_278, %dma_wait3A_309] : memref<425984x32xf32, #tpu.memory_space<hbm>> -> memref<832x32xf32, #tpu.memory_space<hbm>>
    %dma_wait3A_311 = arith.constant 0 : i32
    %dma_wait3A_312 = tpu.memref_slice %arg4[%add3A_278, %dma_wait3A_311] : memref<425984x32xf32, #tpu.memory_space<hbm>> -> memref<832x32xf32, #tpu.memory_space<hbm>>
    tpu.wait_dma2 semaphore(%arg15 : memref<!tpu.dma_semaphore, #tpu.memory_space<semaphore_mem>>) src(%arg7 : memref<832x32xf32, #tpu.memory_space<vmem>>) dst(%dma_wait3A_312 : memref<832x32xf32, #tpu.memory_space<hbm>>)
    %dma_wait3A_313 = arith.constant 0 : i32
    %dma_wait3A_314 = tpu.memref_slice %arg4[%add3A_289, %dma_wait3A_313] : memref<425984x32xf32, #tpu.memory_space<hbm>> -> memref<832x32xf32, #tpu.memory_space<hbm>>
    %dma_wait3A_315 = arith.constant 0 : i32
    %dma_wait3A_316 = tpu.memref_slice %arg4[%add3A_289, %dma_wait3A_315] : memref<425984x32xf32, #tpu.memory_space<hbm>> -> memref<832x32xf32, #tpu.memory_space<hbm>>
    tpu.wait_dma2 semaphore(%arg16 : memref<!tpu.dma_semaphore, #tpu.memory_space<semaphore_mem>>) src(%arg8 : memref<832x32xf32, #tpu.memory_space<vmem>>) dst(%dma_wait3A_316 : memref<832x32xf32, #tpu.memory_space<hbm>>)
    %dma_wait3A_317 = arith.constant 0 : i32
    %dma_wait3A_318 = tpu.memref_slice %arg4[%add3A_300, %dma_wait3A_317] : memref<425984x32xf32, #tpu.memory_space<hbm>> -> memref<832x32xf32, #tpu.memory_space<hbm>>
    %dma_wait3A_319 = arith.constant 0 : i32
    %dma_wait3A_320 = tpu.memref_slice %arg4[%add3A_300, %dma_wait3A_319] : memref<425984x32xf32, #tpu.memory_space<hbm>> -> memref<832x32xf32, #tpu.memory_space<hbm>>
    tpu.wait_dma2 semaphore(%arg17 : memref<!tpu.dma_semaphore, #tpu.memory_space<semaphore_mem>>) src(%arg9 : memref<832x32xf32, #tpu.memory_space<vmem>>) dst(%dma_wait3A_320 : memref<832x32xf32, #tpu.memory_space<hbm>>)
    return
  }
}

</mosaic_0001>

<sc_bundles>
// kernel: kernel.3.cloned.1.call-start
scs
__scs_entry_jumppad:
0x0: {  	(pc) =	sbr.rel $0x88, $3  }
0x1: {  	(tag) =	ssettag $0x0;
	lr =	simm.s32 $0x1  }
0x2: {  	[smem:$0x3F9F] =	sst lr;
	_ =	strace $0xD0000000  }
0x3: {  	_ = 	snop  }
0x4: {  	_ = 	snop  }
0x5: {  	_ = 	snop  }
0x6: {  	_ = 	snop  }
0x7: {  	_ = 	snop  }
__scs_overlays_trampoline_lowered:
0x8: {  	[smem:$0x3FAE] =	sst s0  }
0x9: {  	[smem:$0x3FAF] =	sst s1  }
0xa: {  	[smem:$0x3FB0] =	sst s2  }
0xb: {  	[smem:$0x3FB1] =	sst s3  }
0xc: {  	[smem:$0x3FB2] =	sst s4  }
0xd: {  	[smem:$0x3FB3] =	sst s5  }
0xe: {  	[smem:$0x3FB4] =	sst s6  }
0xf: {  	[smem:$0x3FB5] =	sst s7  }
0x10: {  	[smem:$0x3FB6] =	sst s8  }
0x11: {  	[smem:$0x3FB7] =	sst s9;
	s0 =	simm.s32 @!p0 $0x0  }
0x12: {  	s1 =	sld [smem:$0x3F9D];
	s0 =	simm.s32 @p0 $0x1  }
0x13: {  	[smem:$0x3FB8] =	sst s0;
	s0 =	simm.s32 @!p1 $0x0  }
0x14: {  	s2 =	sld [smem:$0x3F9C];
	s0 =	simm.s32 @p1 $0x1  }
0x15: {  	[smem:$0x3FB9] =	sst s0;
	s0 =	simm.s32 @!p2 $0x0  }
0x16: {  	s3 =	sld [smem:$0x3FDB];
	s0 =	simm.s32 @p2 $0x1  }
0x17: {  	s4 =	simm.s32 $0x1BF5;
	[smem:$0x3FBB] =	sst s0  }
0x18: {  	s0 =	sld [smem:$0x3F9E];
	_ =	swait.ge [sflag:s4], $0x0  }
0x19: {  	s7 =	sld [smem:$0x3F9F]  }
0x1a: {  	s8 =	sadd.s32 $0xFFFFE003, lr  }
0x1b: {  	s9 =	sadd.s32 $0xFFFFFEF7, lr;
	s5 =	simm.s32 $0xFFFFFFFF;
	p2 =	slt.u32 s8, $0xFFFFF086  }
0x1c: {  	p1 =	slt.u32 s9, $0xF7A;
	s5 =	simm.s32 @!p2 $0x0  }
0x1d: {  	s5 =	simm.s32 @p1 $0x1;
	p0 =	seq.s32 s7, s2  }
0x1e: {  	s7 =	smul.u32 @!p0 $0xF7A, s2;
	p2 =	seq.s32 @!p0 s5, $0x0  }
0x1f: {  	s9 =	smul.u32 $0xF7A, s1;
	s8 =	simm.s32 @!p0 $0x1BF5;
	p2 =	por !p2, p0  }
0x20: {  	[sflag:s8] =	ssyncset.s32 @!p0 $0xFFFFF086;
	s6 =	sadd.s32 @!p0 s3, s7;
	s7 =	simm.s32 @!p0 $0x108  }
0x21: {  	s3 =	sadd.s32 s3, s9;
	s6 =	sadd.s32 @!p0 $0x88, s6;
	s7 =	simm.s32 @p2 $0x1082  }
0x22: {  	[simem:s7], [sflag:s8] =	dma.local @!p0 [hbm:s6], $0xF7A  }
0x23: {  	s9 =	sor.u32 $0xD0000000, s2;
	s6 =	simm.s32 $0x108;
	_ =	swait.ge @!p0 [sflag:s8], $0x0  }
0x24: {  	s3 =	sadd.s32 $0x88, s3;
	s6 =	simm.s32 @!p1 $0x1082;
	[sflag:s4] =	ssyncset.s32 $0xFFFFF086  }
0x25: {  	[simem:s6], [sflag:s4] =	dma.local [hbm:s3], $0xF7A  }
0x26: {  	[smem:$0x3F9F] =	sst s1;
	(tag) =	ssettag s2;
	_ =	strace s9  }
0x27: {  	s1 =	sld [smem:$0x3FAF]  }
0x28: {  	s2 =	sld [smem:$0x3FB0]  }
0x29: {  	s4 =	sld [smem:$0x3FB2]  }
0x2a: {  	p0 =	seq.s32 s5, $0x0;
	s5 =	sld [smem:$0x3FB3]  }
0x2b: {  	s6 =	sld [smem:$0x3FB4]  }
0x2c: {  	s7 =	sld [smem:$0x3FB5]  }
0x2d: {  	s3 =	simm.s32 $0x108;
	s8 =	sld [smem:$0x3FB6]  }
0x2e: {  	s3 =	simm.s32 @!p0 $0x1082;
	s9 =	sld [smem:$0x3FB7]  }
0x2f: {  	lr =	sadd.s32 s0, s3;
	s0 =	sld [smem:$0x3FAE]  }
0x30: {  	s3 =	sld [smem:$0x3FB1]  }
0x31: {  	[smem:$0x3FBA] =	sst s10  }
0x32: {  	s10 =	sld [smem:$0x3FB8];
	_ =	sdelay $0x3  }
0x33: {  	p0 =	seq.s32 s10, $0x1;
	s10 =	sld [smem:$0x3FBA];
	_ =	sdelay $0x3  }
0x34: {  	[smem:$0x3FBA] =	sst s10  }
0x35: {  	s10 =	sld [smem:$0x3FB9];
	_ =	sdelay $0x3  }
0x36: {  	p1 =	seq.s32 s10, $0x1;
	s10 =	sld [smem:$0x3FBA];
	_ =	sdelay $0x3  }
0x37: {  	[smem:$0x3FBA] =	sst s10  }
0x38: {  	s10 =	sld [smem:$0x3FBB]  }
0x39: {  	_ = 	snop;
	(pc) =	sbr.ind lr, $3  }
0x3a: {  	_ = 	snop  }
0x3b: {  	_ = 	snop  }
0x3c: {  	p2 =	seq.s32 s10, $0x1;
	s10 =	sld [smem:$0x3FBA]  }
0x3d: {  	_ =	shalt  }
0x3e: {  	_ =	shalt  }
0x3f: {  	_ =	shalt  }
0x40: {  	_ =	shalt  }
0x41: {  	_ =	shalt  }
0x42: {  	_ =	shalt  }
0x43: {  	_ =	shalt  }
0x44: {  	_ =	shalt  }
0x45: {  	_ =	shalt  }
0x46: {  	_ =	shalt  }
0x47: {  	_ =	shalt  }
0x48: {  	_ =	shalt  }
0x49: {  	_ =	shalt  }
0x4a: {  	_ =	shalt  }
0x4b: {  	_ =	shalt  }
0x4c: {  	_ =	shalt  }
0x4d: {  	_ =	shalt  }
0x4e: {  	_ =	shalt  }
0x4f: {  	_ =	shalt  }
0x50: {  	_ =	shalt  }
0x51: {  	_ =	shalt  }
0x52: {  	_ =	shalt  }
0x53: {  	_ =	shalt  }
0x54: {  	_ =	shalt  }
0x55: {  	_ =	shalt  }
0x56: {  	_ =	shalt  }
0x57: {  	_ =	shalt  }
0x58: {  	_ =	shalt  }
0x59: {  	_ =	shalt  }
0x5a: {  	_ =	shalt  }
0x5b: {  	_ =	shalt  }
0x5c: {  	_ =	shalt  }
0x5d: {  	_ =	shalt  }
0x5e: {  	_ =	shalt  }
0x5f: {  	_ =	shalt  }
0x60: {  	_ =	shalt  }
0x61: {  	_ =	shalt  }
0x62: {  	_ =	shalt  }
0x63: {  	_ =	shalt  }
0x64: {  	_ =	shalt  }
0x65: {  	_ =	shalt  }
0x66: {  	_ =	shalt  }
0x67: {  	_ =	shalt  }
0x68: {  	_ =	shalt  }
0x69: {  	_ =	shalt  }
0x6a: {  	_ =	shalt  }
0x6b: {  	_ =	shalt  }
0x6c: {  	_ =	shalt  }
0x6d: {  	_ =	shalt  }
0x6e: {  	_ =	shalt  }
0x6f: {  	_ =	shalt  }
0x70: {  	_ =	shalt  }
0x71: {  	_ =	shalt  }
0x72: {  	_ =	shalt  }
0x73: {  	_ =	shalt  }
0x74: {  	_ =	shalt  }
0x75: {  	_ =	shalt  }
0x76: {  	_ =	shalt  }
0x77: {  	_ =	shalt  }
0x78: {  	_ =	shalt  }
0x79: {  	_ =	shalt  }
0x7a: {  	_ =	shalt  }
0x7b: {  	_ =	shalt  }
0x7c: {  	_ =	shalt  }
0x7d: {  	_ =	shalt  }
0x7e: {  	_ =	shalt  }
0x7f: {  	_ =	shalt  }
0x80: {  	_ =	shalt  }
0x81: {  	_ =	shalt  }
0x82: {  	_ =	shalt  }
0x83: {  	_ =	shalt  }
0x84: {  	_ =	shalt  }
0x85: {  	_ =	shalt  }
0x86: {  	_ =	shalt  }
0x87: {  	_ =	shalt  }
.Lfunc_end0:
.L_simem_size_0:
called_computation.1_lowered:
.L_overlay_start_0:
0x88: {  	s2 =	sld [smem:$0x3FD9]  }
0x89: {  	s3 =	sld [smem:$0x3FFE];
	_ =	sdelay $0x1  }
0x8a: {  	s1 =	srdreg.scid  }
0x8b: {  	s0 =	sand.u32 $0x1, s1  }
0x8c: {  	s17 =	sshll.u32 s0, $0xA;
	s2 =	sadd.s32 s3, s2  }
0x8d: {  	s2 =	sadd.s32 s2, s17  }
0x8e: {  	[smem:$0x3FC6] =	sst s2  }
0x8f: {  	_ = 	snop  }
0x90: {  	s2 =	sld [smem:$0x3FD0];
	(tm) =	ssettm $0x1  }
0x91: {  	s18 =	sld [smem:$0x3FFB];
	_ =	sdelay $0x3  }
0x92: {  	_ =	strace s18  }
0x93: {  	s3 =	sld [smem:$0x3FFC];
	_ =	sdelay $0x3  }
0x94: {  	_ =	strace s3  }
0x95: {  	s3 =	sld [smem:$0x3FFD];
	_ =	sdelay $0x3  }
0x96: {  	_ =	strace s3  }
0x97: {  	_ =	strace $0x8FFFFFFF  }
0x98: {  	s19 =	sld [smem:$0x3FDB];
	_ =	sdelay $0x1  }
0x99: {  	s4 =	simm.s32 $_scs_section_size  }
0x9a: {  	s5 =	simm.s32 $_size__tile_overlayer_lowered;
	s6 =	simm.s32 $_tile_overlayer_lowered  }
0x9b: {  	s22 =	simm.s32 $0x1BFF;
	s21 =	sshll.u32 s6, $0x1;
	s3 =	sadd.s32 s4, s19  }
0x9c: {  	s7 =	simm.s32 $0x0;
	s20 =	sshll.u32 s5, $0x1;
	s5 =	sadd.s32 s21, s3  }
0x9d: {  	[timem:s7], [sflag:s22] =	dma.local [hbm:s5], s20  }
0x9e: {  	_ =	swait.ge [sflag:s22], s20  }
0x9f: {  	s4 =	ssub.s32 $0x0, s20;
	[sflag:s22] =	ssyncset.done $0x0  }
0xa0: {  	[sflag:s22] =	ssyncadd.s32 s4;
	_ =	sdelay $0x1  }
0xa1: {  	s23 =	simm.s32 $0x1B8B  }
0xa2: {  	_ =	swait.ge [sflag:s23], $0x1  }
0xa3: {  	[sflag:s23] =	ssyncset.done $0x0  }
0xa4: {  	s25 =	simm.s32 $0x1B8E;
	s24 =	sld [smem:$0x3FFE];
	[sflag:s23] =	ssyncadd.s32 $0xFFFFFFFF  }
0xa5: {  	s26 =	simm.s32 $execute0_lowered;
	[smem:$0x3FD2] =	sst s25  }
0xa6: {  	s5 =	sshll.u32 s26, $0x1;
	_ =	strace $0x80000046;
	[dreg:$0x1] =	wrdreg $0xFFFFFFFF  }
0xa7: {  	s28 =	simm.s32 $_size_execute0_lowered;
	s3 =	sadd.s32 s3, s5;
	[dreg:$0x0] =	wrdreg $0x0  }
0xa8: {  	s5 =	sshll.u32 s28, $0x1;
	[dreg:$0x2] =	wrdreg s3  }
0xa9: {  	[dreg:$0x3] =	wrdreg s5  }
0xaa: {  	[dreg:$0x4] =	wrdreg $0xC0  }
0xab: {  	_ =	task [dreg:s7], $0x5FFFF  }
0xac: {  	[dreg:$0x1] =	wrdreg $0xFFFFFFFF  }
0xad: {  	[dreg:$0x0] =	wrdreg $0x60  }
0xae: {  	[dreg:$0x2] =	wrdreg s24  }
0xaf: {  	[dreg:$0x3] =	wrdreg s2  }
0xb0: {  	[dreg:$0x4] =	wrdreg $0x9  }
0xb1: {  	_ =	task.clear_ibuf [dreg:s7], $0x5FFFF;
	_ =	strace $0x90000046  }
0xb2: {  	s29 =	simm.s32 $0x9;
	_ =	strace $0x80000048  }
0xb3: {  	_ =	swait.ge [sflag:s29], $0x1  }
0xb4: {  	[sflag:s29] =	ssyncadd.s32 $0xFFFFFFFF  }
0xb5: {  	_ =	strace $0x90000048  }
0xb6: {  	_ =	sfence  }
0xb7: {  	s30 =	sld [smem:$0x0];
	_ =	sdelay $0x2  }
0xb8: {  	s31 =	sshll.u32 s1, $0xD;
	s1 =	sshrl.u32 s1, $0x2  }
0xb9: {  	s3 =	sand.u32 $0x4000, s31;
	s1 =	sadd.s32 s1, s30  }
0xba: {  	s0 =	sor.u32 s3, s0;
	s1 =	sshll.u32 s1, $0x11  }
0xbb: {  	s0 =	sor.u32 s1, s0  }
0xbc: {  	s0 =	sadd.s32 $0x8F2B, s0  }
0xbd: {  	[sflag:s0] =	ssyncadd.remote.s32 $0x1  }
0xbe: {  	_ =	sfence.sel $0xFFFF  }
0xbf: {  	[dreg:$0x0] =	wrdreg $0xFFFFFFFF;
	(pc) =	sbr.abs _section_cstart, $3  }
0xc0: {  	[dreg:$0x1] =	wrdreg $0xFFFFFFFF  }
0xc1: {  	_ =	task.clear_ibuf [dreg:s7], $0x2FFFF;
	_ =	strace $0x9FFFFFFF  }
0xc2: {  	(tm) =	ssettm $0x7FFFFFFF  }
0xc3: {  	_ =	shalt  }
tec
execute0_lowered:
.L_overlay_start_1:
0x0: {  	(tag) =	ssettag $0x1  }
0x1: {  	s0 =	srdreg.scid;
	s3 =	rddreg [dreg:$0x0]  }
0x2: {  	s1 =	stileid.u32;
	s4 =	rddreg [dreg:$0x1];
	s2 =	simm.s32 $0x0  }
0x3: {  	s31 =	simm.s32 $0x9;
	s0 =	sand.u32 $0x1, s0;
	s1 =	sshll.u32 s1, $0x1  }
0x4: {  	s25 =	simm.s32 $0x680;
	s26 =	simm.s32 $0x9C0;
	s1 =	sor.u32 s0, s1  }
0x5: {  	s9 =	simm.s32 $0x10400;
	s8 =	simm.s32 $0x16C00;
	s5 =	smul.u32 $0x680, s1  }
0x6: {  	s30 =	simm.s32 $0xD00;
	[smem:$0x7FF] =	sst s2;
	s6 =	smul.u32 $0xD000, s1  }
0x7: {  	_ =	strace $0x80000047;
	[dreg:$0x13] =	wrdreg s25;
	s1 =	smul.u32 $0x68000, s1  }
0x8: {  	s29 =	simm.s32 $0x1040;
	[dreg:$0x14] =	wrdreg s26;
	s5 =	sadd.s32 s5, s3  }
0x9: {  	s22 =	sadd.s32 s4, s6;
	s1 =	sshrl.u32 s1, $0x3;
	s5 =	sadd.s32 $0xA00, s5  }
0xa: {  	s10 =	sadd.s32 $0xD00, s22;
	s1 =	sadd.s32 s4, s1;
	[dreg:$0x3] =	wrdreg s5  }
0xb: {  	s7 =	simm.s32 $0x7;
	[dreg:$0x4] =	wrdreg s10;
	s4 =	sadd.s32 $0x1A00, s1  }
0xc: {  	s28 =	simm.s32 $0x1380;
	s11 =	sadd.s32 $0x2700, s1;
	[dreg:$0x5] =	wrdreg s4  }
0xd: {  	p0 =	por $0x0, $0x0;
	s12 =	sadd.s32 $0x3400, s1;
	[dreg:$0x6] =	wrdreg s11  }
0xe: {  	s0 =	ssub.s32 $0x2, s0;
	s13 =	sadd.s32 $0x4100, s1;
	[dreg:$0x7] =	wrdreg s12  }
0xf: {  	s26 =	simm.s32 $0x16C0;
	s14 =	sadd.s32 $0x4E00, s1;
	[dreg:$0x8] =	wrdreg s13  }
0x10: {  	s25 =	simm.s32 $0x1A00;
	s15 =	sadd.s32 $0x5B00, s1;
	[dreg:$0x9] =	wrdreg s14  }
0x11: {  	s23 =	sshrl.u32 s0, $0x1;
	s16 =	sadd.s32 $0x6800, s1;
	[dreg:$0xa] =	wrdreg s15  }
0x12: {  	s0 =	ssub.s32 s0, s23;
	s17 =	sadd.s32 $0x7500, s1;
	[dreg:$0xb] =	wrdreg s16  }
0x13: {  	s23 =	simm.s32 $0x2080;
	s18 =	sadd.s32 $0x8200, s1;
	[dreg:$0xc] =	wrdreg s17  }
0x14: {  	s3 =	sadd.s32 $0xF42E00, s3;
	s19 =	sadd.s32 $0x8F00, s1;
	[dreg:$0xd] =	wrdreg s18  }
0x15: {  	s0 =	smax.u32 s0, $0x1;
	s20 =	sadd.s32 $0x9C00, s1;
	[dreg:$0xe] =	wrdreg s19  }
0x16: {  	s6 =	simm.s32 $0x6;
	s21 =	sadd.s32 $0xA900, s1;
	[dreg:$0xf] =	wrdreg s20  }
0x17: {  	p1 =	sne.s32 s0, $0x1;
	s24 =	sadd.s32 $0xB600, s1;
	[dreg:$0x10] =	wrdreg s21  }
0x18: {  	s1 =	sadd.s32 $0xC300, s1;
	s10 =	simm.s32 $0x9C00;
	[dreg:$0x11] =	wrdreg s24  }
0x19: {  	s5 =	simm.s32 $0x5;
	[dreg:$0x12] =	wrdreg s1;
	s11 =	simm.s32 $0x340  }
.Ltmp0:
0x1a: {  	s12 =	simm.s32 $0x3400;
	s16 =	simm.s32 $0x1;
	(pc) =	sbr.rel @!p1 .LBB2_3-.Ltmp0, $4  }
0x1b: {  	s15 =	simm.s32 $0x2;
	s14 =	simm.s32 $0x3;
	s13 =	simm.s32 $0x4  }
0x1c: {  	s4 =	simm.s32 $0x8;
	s24 =	simm.s32 $0x1D40;
	s1 =	sadd.s32 $0xFFFFFFFF, s0  }
0x1d: {  	s21 =	simm.s32 $0x23C0;
	s20 =	simm.s32 $0x2700;
	s19 =	simm.s32 $0x2A40  }
0x1e: {  	s18 =	simm.s32 $0x2D80;
	s17 =	simm.s32 $0x30C0;
	s0 =	rddreg [dreg:$0x3]  }
0x1f: {  	[tilespmem:s2], [sflag:$0x9] =	stream.linear.gather [hbm4b:s0+s2], $0x3400, $0x38;
	[tilespmem:$0x1D400] =	vst v63  }
0x20: {  	_ =	swait.ge [sflag:s31], $0x3400  }
0x21: {  	[sflag:s31] =	ssyncset.done $0x0  }
0x22: {  	[sflag:s31] =	ssyncadd.s32 $0xFFFFCC00  }
0x23: {  	[tilespmem:s12], [sflag:$0x1] =	stream.indirect.gather [hbm4b:s3+s11], $0x20, s2, s11, $0xb8;
	[tilespmem:$0x1D400] =	vst v63  }
0x24: {  	_ = 	snop  }
0x25: {  	[tilespmem:s10], [sflag:$0x2] =	stream.indirect.gather [hbm4b:s3+s11], $0x20, s11, s11, $0xb8;
	[tilespmem:$0x1D400] =	vst v63  }
0x26: {  	s0 =	rddreg [dreg:$0x13]  }
0x27: {  	[tilespmem:s9], [sflag:$0x3] =	stream.indirect.gather [hbm4b:s3+s11], $0x20, s0, s11, $0xb8;
	[tilespmem:$0x1D400] =	vst v63  }
0x28: {  	_ =	swait.ge [sflag:s16], $0x6800  }
0x29: {  	[sflag:s16] =	ssyncset.done $0x0  }
0x2a: {  	s0 =	rddreg [dreg:$0x14];
	[sflag:s16] =	ssyncadd.s32 $0xFFFF9800  }
0x2b: {  	[tilespmem:s8], [sflag:$0x4] =	stream.indirect.gather [hbm4b:s3+s11], $0x20, s0, s11, $0xb8;
	[tilespmem:$0x1D400] =	vst v63  }
0x2c: {  	_ = 	snop  }
0x2d: {  	[hbm4b:s22+s2] =	stream.linear.scatter [tilespmem:s12], [sflag:$0x5], $0x6800, $0x38;
	[tilespmem:$0x1D400] =	vst v63  }
0x2e: {  	_ =	swait.ge [sflag:s15], $0x6800  }
0x2f: {  	[sflag:s15] =	ssyncset.done $0x0  }
0x30: {  	[sflag:s15] =	ssyncadd.s32 $0xFFFF9800  }
0x31: {  	_ =	swait.ge [sflag:s5], $0x6800  }
0x32: {  	[sflag:s5] =	ssyncset.done $0x0  }
0x33: {  	[sflag:s5] =	ssyncadd.s32 $0xFFFF9800  }
0x34: {  	[tilespmem:s12], [sflag:$0x1] =	stream.indirect.gather [hbm4b:s3+s11], $0x20, s30, s11, $0xb8;
	[tilespmem:$0x1D400] =	vst v63  }
0x35: {  	s0 =	rddreg [dreg:$0x4]  }
0x36: {  	[hbm4b:s0+s2] =	stream.linear.scatter [tilespmem:s10], [sflag:$0x6], $0x6800, $0x38;
	[tilespmem:$0x1D400] =	vst v63  }
0x37: {  	_ =	swait.ge [sflag:s14], $0x6800  }
0x38: {  	[sflag:s14] =	ssyncset.done $0x0  }
0x39: {  	[sflag:s14] =	ssyncadd.s32 $0xFFFF9800  }
0x3a: {  	_ =	swait.ge [sflag:s6], $0x6800  }
0x3b: {  	[sflag:s6] =	ssyncset.done $0x0  }
0x3c: {  	[sflag:s6] =	ssyncadd.s32 $0xFFFF9800  }
0x3d: {  	[tilespmem:s10], [sflag:$0x2] =	stream.indirect.gather [hbm4b:s3+s11], $0x20, s29, s11, $0xb8;
	[tilespmem:$0x1D400] =	vst v63  }
0x3e: {  	s0 =	rddreg [dreg:$0x5]  }
0x3f: {  	[hbm4b:s0+s2] =	stream.linear.scatter [tilespmem:s9], [sflag:$0x7], $0x6800, $0x38;
	[tilespmem:$0x1D400] =	vst v63  }
0x40: {  	_ =	swait.ge [sflag:s13], $0x6800  }
0x41: {  	[sflag:s13] =	ssyncset.done $0x0  }
0x42: {  	[sflag:s13] =	ssyncadd.s32 $0xFFFF9800  }
0x43: {  	_ =	swait.ge [sflag:s7], $0x6800  }
0x44: {  	[sflag:s7] =	ssyncset.done $0x0  }
0x45: {  	[sflag:s7] =	ssyncadd.s32 $0xFFFF9800  }
0x46: {  	[tilespmem:s9], [sflag:$0x3] =	stream.indirect.gather [hbm4b:s3+s11], $0x20, s28, s11, $0xb8;
	[tilespmem:$0x1D400] =	vst v63  }
0x47: {  	s0 =	rddreg [dreg:$0x6]  }
0x48: {  	[hbm4b:s0+s2] =	stream.linear.scatter [tilespmem:s8], [sflag:$0x8], $0x6800, $0x38;
	[tilespmem:$0x1D400] =	vst v63  }
0x49: {  	_ =	swait.ge [sflag:s16], $0x6800  }
0x4a: {  	[sflag:s16] =	ssyncset.done $0x0  }
0x4b: {  	[sflag:s16] =	ssyncadd.s32 $0xFFFF9800  }
0x4c: {  	_ =	swait.ge [sflag:s4], $0x6800  }
0x4d: {  	[sflag:s4] =	ssyncset.done $0x0  }
0x4e: {  	[sflag:s4] =	ssyncadd.s32 $0xFFFF9800  }
0x4f: {  	[tilespmem:s8], [sflag:$0x4] =	stream.indirect.gather [hbm4b:s3+s11], $0x20, s26, s11, $0xb8;
	[tilespmem:$0x1D400] =	vst v63  }
0x50: {  	s0 =	rddreg [dreg:$0x7]  }
0x51: {  	[hbm4b:s0+s2] =	stream.linear.scatter [tilespmem:s12], [sflag:$0x5], $0x6800, $0x38;
	[tilespmem:$0x1D400] =	vst v63  }
0x52: {  	_ =	swait.ge [sflag:s15], $0x6800  }
0x53: {  	[sflag:s15] =	ssyncset.done $0x0  }
0x54: {  	[sflag:s15] =	ssyncadd.s32 $0xFFFF9800  }
0x55: {  	_ =	swait.ge [sflag:s5], $0x6800  }
0x56: {  	[sflag:s5] =	ssyncset.done $0x0  }
0x57: {  	[sflag:s5] =	ssyncadd.s32 $0xFFFF9800  }
0x58: {  	[tilespmem:s12], [sflag:$0x1] =	stream.indirect.gather [hbm4b:s3+s11], $0x20, s25, s11, $0xb8;
	[tilespmem:$0x1D400] =	vst v63  }
0x59: {  	s0 =	rddreg [dreg:$0x8]  }
0x5a: {  	[hbm4b:s0+s2] =	stream.linear.scatter [tilespmem:s10], [sflag:$0x6], $0x6800, $0x38;
	[tilespmem:$0x1D400] =	vst v63  }
0x5b: {  	_ =	swait.ge [sflag:s14], $0x6800  }
0x5c: {  	[sflag:s14] =	ssyncset.done $0x0  }
0x5d: {  	[sflag:s14] =	ssyncadd.s32 $0xFFFF9800  }
0x5e: {  	_ =	swait.ge [sflag:s6], $0x6800  }
0x5f: {  	[sflag:s6] =	ssyncset.done $0x0  }
0x60: {  	[sflag:s6] =	ssyncadd.s32 $0xFFFF9800  }
0x61: {  	[tilespmem:s10], [sflag:$0x2] =	stream.indirect.gather [hbm4b:s3+s11], $0x20, s24, s11, $0xb8;
	[tilespmem:$0x1D400] =	vst v63  }
0x62: {  	s0 =	rddreg [dreg:$0x9]  }
0x63: {  	[hbm4b:s0+s2] =	stream.linear.scatter [tilespmem:s9], [sflag:$0x7], $0x6800, $0x38;
	[tilespmem:$0x1D400] =	vst v63  }
0x64: {  	_ =	swait.ge [sflag:s13], $0x6800  }
0x65: {  	[sflag:s13] =	ssyncset.done $0x0  }
0x66: {  	[sflag:s13] =	ssyncadd.s32 $0xFFFF9800  }
0x67: {  	_ =	swait.ge [sflag:s7], $0x6800  }
0x68: {  	[sflag:s7] =	ssyncset.done $0x0  }
0x69: {  	[sflag:s7] =	ssyncadd.s32 $0xFFFF9800  }
0x6a: {  	[tilespmem:s9], [sflag:$0x3] =	stream.indirect.gather [hbm4b:s3+s11], $0x20, s23, s11, $0xb8;
	[tilespmem:$0x1D400] =	vst v63  }
0x6b: {  	s0 =	rddreg [dreg:$0xa]  }
0x6c: {  	[hbm4b:s0+s2] =	stream.linear.scatter [tilespmem:s8], [sflag:$0x8], $0x6800, $0x38;
	[tilespmem:$0x1D400] =	vst v63  }
0x6d: {  	_ =	swait.ge [sflag:s16], $0x6800  }
0x6e: {  	[sflag:s16] =	ssyncset.done $0x0  }
0x6f: {  	[sflag:s16] =	ssyncadd.s32 $0xFFFF9800  }
0x70: {  	_ =	swait.ge [sflag:s4], $0x6800  }
0x71: {  	[sflag:s4] =	ssyncset.done $0x0  }
0x72: {  	[sflag:s4] =	ssyncadd.s32 $0xFFFF9800  }
0x73: {  	[tilespmem:s8], [sflag:$0x4] =	stream.indirect.gather [hbm4b:s3+s11], $0x20, s21, s11, $0xb8;
	[tilespmem:$0x1D400] =	vst v63  }
0x74: {  	s0 =	rddreg [dreg:$0xb]  }
0x75: {  	[hbm4b:s0+s2] =	stream.linear.scatter [tilespmem:s12], [sflag:$0x5], $0x6800, $0x38;
	[tilespmem:$0x1D400] =	vst v63  }
0x76: {  	_ =	swait.ge [sflag:s15], $0x6800  }
0x77: {  	[sflag:s15] =	ssyncset.done $0x0  }
0x78: {  	[sflag:s15] =	ssyncadd.s32 $0xFFFF9800  }
0x79: {  	_ =	swait.ge [sflag:s5], $0x6800  }
0x7a: {  	[sflag:s5] =	ssyncset.done $0x0  }
0x7b: {  	[sflag:s5] =	ssyncadd.s32 $0xFFFF9800  }
0x7c: {  	[tilespmem:s12], [sflag:$0x1] =	stream.indirect.gather [hbm4b:s3+s11], $0x20, s20, s11, $0xb8;
	[tilespmem:$0x1D400] =	vst v63  }
0x7d: {  	s0 =	rddreg [dreg:$0xc]  }
0x7e: {  	[hbm4b:s0+s2] =	stream.linear.scatter [tilespmem:s10], [sflag:$0x6], $0x6800, $0x38;
	[tilespmem:$0x1D400] =	vst v63  }
0x7f: {  	_ =	swait.ge [sflag:s14], $0x6800  }
0x80: {  	[sflag:s14] =	ssyncset.done $0x0  }
0x81: {  	[sflag:s14] =	ssyncadd.s32 $0xFFFF9800  }
0x82: {  	_ =	swait.ge [sflag:s6], $0x6800  }
0x83: {  	[sflag:s6] =	ssyncset.done $0x0  }
0x84: {  	[sflag:s6] =	ssyncadd.s32 $0xFFFF9800  }
0x85: {  	[tilespmem:s10], [sflag:$0x2] =	stream.indirect.gather [hbm4b:s3+s11], $0x20, s19, s11, $0xb8;
	[tilespmem:$0x1D400] =	vst v63  }
0x86: {  	s0 =	rddreg [dreg:$0xd]  }
0x87: {  	[hbm4b:s0+s2] =	stream.linear.scatter [tilespmem:s9], [sflag:$0x7], $0x6800, $0x38;
	[tilespmem:$0x1D400] =	vst v63  }
0x88: {  	_ =	swait.ge [sflag:s13], $0x6800  }
0x89: {  	[sflag:s13] =	ssyncset.done $0x0  }
0x8a: {  	[sflag:s13] =	ssyncadd.s32 $0xFFFF9800  }
0x8b: {  	_ =	swait.ge [sflag:s7], $0x6800  }
0x8c: {  	[sflag:s7] =	ssyncset.done $0x0  }
0x8d: {  	[sflag:s7] =	ssyncadd.s32 $0xFFFF9800  }
0x8e: {  	[tilespmem:s9], [sflag:$0x3] =	stream.indirect.gather [hbm4b:s3+s11], $0x20, s18, s11, $0xb8;
	[tilespmem:$0x1D400] =	vst v63  }
0x8f: {  	s0 =	rddreg [dreg:$0xe]  }
0x90: {  	[hbm4b:s0+s2] =	stream.linear.scatter [tilespmem:s8], [sflag:$0x8], $0x6800, $0x38;
	[tilespmem:$0x1D400] =	vst v63  }
0x91: {  	_ =	swait.ge [sflag:s16], $0x6800  }
0x92: {  	[sflag:s16] =	ssyncset.done $0x0  }
0x93: {  	[sflag:s16] =	ssyncadd.s32 $0xFFFF9800  }
0x94: {  	_ =	swait.ge [sflag:s4], $0x6800  }
0x95: {  	[sflag:s4] =	ssyncset.done $0x0  }
0x96: {  	[sflag:s4] =	ssyncadd.s32 $0xFFFF9800  }
0x97: {  	[tilespmem:s8], [sflag:$0x4] =	stream.indirect.gather [hbm4b:s3+s11], $0x20, s17, s11, $0xb8;
	[tilespmem:$0x1D400] =	vst v63  }
0x98: {  	s0 =	rddreg [dreg:$0xf]  }
0x99: {  	[hbm4b:s0+s2] =	stream.linear.scatter [tilespmem:s12], [sflag:$0x5], $0x6800, $0x38;
	[tilespmem:$0x1D400] =	vst v63  }
0x9a: {  	_ =	swait.ge [sflag:s15], $0x6800  }
0x9b: {  	[sflag:s15] =	ssyncset.done $0x0  }
0x9c: {  	s0 =	rddreg [dreg:$0x10];
	[sflag:s15] =	ssyncadd.s32 $0xFFFF9800  }
0x9d: {  	[hbm4b:s0+s2] =	stream.linear.scatter [tilespmem:s10], [sflag:$0x6], $0x6800, $0x38;
	[tilespmem:$0x1D400] =	vst v63  }
0x9e: {  	_ =	swait.ge [sflag:s14], $0x6800  }
0x9f: {  	[sflag:s14] =	ssyncset.done $0x0  }
0xa0: {  	s0 =	rddreg [dreg:$0x11];
	[sflag:s14] =	ssyncadd.s32 $0xFFFF9800  }
0xa1: {  	[hbm4b:s0+s2] =	stream.linear.scatter [tilespmem:s9], [sflag:$0x7], $0x6800, $0x38;
	[tilespmem:$0x1D400] =	vst v63  }
0xa2: {  	_ =	swait.ge [sflag:s13], $0x6800  }
0xa3: {  	[sflag:s13] =	ssyncset.done $0x0  }
0xa4: {  	s0 =	rddreg [dreg:$0x12];
	[sflag:s13] =	ssyncadd.s32 $0xFFFF9800  }
0xa5: {  	[hbm4b:s0+s2] =	stream.linear.scatter [tilespmem:s8], [sflag:$0x8], $0x6800, $0x38;
	[tilespmem:$0x1D400] =	vst v63  }
0xa6: {  	_ =	swait.ge [sflag:s5], $0x6800  }
0xa7: {  	[sflag:s5] =	ssyncset.done $0x0  }
0xa8: {  	[sflag:s5] =	ssyncadd.s32 $0xFFFF9800  }
0xa9: {  	_ =	swait.ge [sflag:s6], $0x6800  }
0xaa: {  	[sflag:s6] =	ssyncset.done $0x0  }
0xab: {  	p1 =	sne.s32 s1, $0x1;
	[sflag:s6] =	ssyncadd.s32 $0xFFFF9800  }
.Ltmp1:
0xac: {  	_ =	swait.ge [sflag:s7], $0x6800;
	(pc) =	sbr.rel @!p1 .LBB2_3-.Ltmp1, $4  }
0xad: {  	[sflag:s7] =	ssyncset.done $0x0  }
0xae: {  	[sflag:s7] =	ssyncadd.s32 $0xFFFF9800  }
0xaf: {  	s1 =	sadd.s32 $0xFFFFFFFF, s1;
	_ =	swait.ge [sflag:s4], $0x6800  }
0xb0: {  	p0 =	por $0x1, $0x1;
	s0 =	rddreg [dreg:$0x3];
	[sflag:s4] =	ssyncset.done $0x0  }
.LBB2_2:
0xb1: {  	[sflag:s4] =	ssyncadd.s32 $0xFFFF9800  }
0xb2: {  	[tilespmem:s2], [sflag:$0x9] =	stream.linear.gather [hbm4b:s0+s2], $0x3400, $0x38;
	[tilespmem:$0x1D400] =	vst v63  }
0xb3: {  	_ =	swait.ge [sflag:s31], $0x3400  }
0xb4: {  	[sflag:s31] =	ssyncset.done $0x0  }
0xb5: {  	[sflag:s31] =	ssyncadd.s32 $0xFFFFCC00  }
0xb6: {  	[tilespmem:s12], [sflag:$0x1] =	stream.indirect.gather [hbm4b:s3+s11], $0x20, s2, s11, $0xb8;
	[tilespmem:$0x1D400] =	vst v63  }
0xb7: {  	_ = 	snop  }
0xb8: {  	[tilespmem:s10], [sflag:$0x2] =	stream.indirect.gather [hbm4b:s3+s11], $0x20, s11, s11, $0xb8;
	[tilespmem:$0x1D400] =	vst v63  }
0xb9: {  	s0 =	rddreg [dreg:$0x13]  }
0xba: {  	[tilespmem:s9], [sflag:$0x3] =	stream.indirect.gather [hbm4b:s3+s11], $0x20, s0, s11, $0xb8;
	[tilespmem:$0x1D400] =	vst v63  }
0xbb: {  	_ =	swait.ge [sflag:s16], $0x6800  }
0xbc: {  	[sflag:s16] =	ssyncset.done $0x0  }
0xbd: {  	s0 =	rddreg [dreg:$0x14];
	[sflag:s16] =	ssyncadd.s32 $0xFFFF9800  }
0xbe: {  	[tilespmem:s8], [sflag:$0x4] =	stream.indirect.gather [hbm4b:s3+s11], $0x20, s0, s11, $0xb8;
	[tilespmem:$0x1D400] =	vst v63  }
0xbf: {  	_ = 	snop  }
0xc0: {  	[hbm4b:s22+s2] =	stream.linear.scatter [tilespmem:s12], [sflag:$0x5], $0x6800, $0x38;
	[tilespmem:$0x1D400] =	vst v63  }
0xc1: {  	_ =	swait.ge [sflag:s15], $0x6800  }
0xc2: {  	[sflag:s15] =	ssyncset.done $0x0  }
0xc3: {  	[sflag:s15] =	ssyncadd.s32 $0xFFFF9800  }
0xc4: {  	_ =	swait.ge [sflag:s5], $0x6800  }
0xc5: {  	[sflag:s5] =	ssyncset.done $0x0  }
0xc6: {  	[sflag:s5] =	ssyncadd.s32 $0xFFFF9800  }
0xc7: {  	[tilespmem:s12], [sflag:$0x1] =	stream.indirect.gather [hbm4b:s3+s11], $0x20, s30, s11, $0xb8;
	[tilespmem:$0x1D400] =	vst v63  }
0xc8: {  	s0 =	rddreg [dreg:$0x4]  }
0xc9: {  	[hbm4b:s0+s2] =	stream.linear.scatter [tilespmem:s10], [sflag:$0x6], $0x6800, $0x38;
	[tilespmem:$0x1D400] =	vst v63  }
0xca: {  	_ =	swait.ge [sflag:s14], $0x6800  }
0xcb: {  	[sflag:s14] =	ssyncset.done $0x0  }
0xcc: {  	[sflag:s14] =	ssyncadd.s32 $0xFFFF9800  }
0xcd: {  	_ =	swait.ge [sflag:s6], $0x6800  }
0xce: {  	[sflag:s6] =	ssyncset.done $0x0  }
0xcf: {  	[sflag:s6] =	ssyncadd.s32 $0xFFFF9800  }
0xd0: {  	[tilespmem:s10], [sflag:$0x2] =	stream.indirect.gather [hbm4b:s3+s11], $0x20, s29, s11, $0xb8;
	[tilespmem:$0x1D400] =	vst v63  }
0xd1: {  	s0 =	rddreg [dreg:$0x5]  }
0xd2: {  	[hbm4b:s0+s2] =	stream.linear.scatter [tilespmem:s9], [sflag:$0x7], $0x6800, $0x38;
	[tilespmem:$0x1D400] =	vst v63  }
0xd3: {  	_ =	swait.ge [sflag:s13], $0x6800  }
0xd4: {  	[sflag:s13] =	ssyncset.done $0x0  }
0xd5: {  	[sflag:s13] =	ssyncadd.s32 $0xFFFF9800  }
0xd6: {  	_ =	swait.ge [sflag:s7], $0x6800  }
0xd7: {  	[sflag:s7] =	ssyncset.done $0x0  }
0xd8: {  	[sflag:s7] =	ssyncadd.s32 $0xFFFF9800  }
0xd9: {  	[tilespmem:s9], [sflag:$0x3] =	stream.indirect.gather [hbm4b:s3+s11], $0x20, s28, s11, $0xb8;
	[tilespmem:$0x1D400] =	vst v63  }
0xda: {  	s0 =	rddreg [dreg:$0x6]  }
0xdb: {  	[hbm4b:s0+s2] =	stream.linear.scatter [tilespmem:s8], [sflag:$0x8], $0x6800, $0x38;
	[tilespmem:$0x1D400] =	vst v63  }
0xdc: {  	_ =	swait.ge [sflag:s16], $0x6800  }
0xdd: {  	[sflag:s16] =	ssyncset.done $0x0  }
0xde: {  	[sflag:s16] =	ssyncadd.s32 $0xFFFF9800  }
0xdf: {  	_ =	swait.ge [sflag:s4], $0x6800  }
0xe0: {  	[sflag:s4] =	ssyncset.done $0x0  }
0xe1: {  	[sflag:s4] =	ssyncadd.s32 $0xFFFF9800  }
0xe2: {  	[tilespmem:s8], [sflag:$0x4] =	stream.indirect.gather [hbm4b:s3+s11], $0x20, s26, s11, $0xb8;
	[tilespmem:$0x1D400] =	vst v63  }
0xe3: {  	s0 =	rddreg [dreg:$0x7]  }
0xe4: {  	[hbm4b:s0+s2] =	stream.linear.scatter [tilespmem:s12], [sflag:$0x5], $0x6800, $0x38;
	[tilespmem:$0x1D400] =	vst v63  }
0xe5: {  	_ =	swait.ge [sflag:s15], $0x6800  }
0xe6: {  	[sflag:s15] =	ssyncset.done $0x0  }
0xe7: {  	[sflag:s15] =	ssyncadd.s32 $0xFFFF9800  }
0xe8: {  	_ =	swait.ge [sflag:s5], $0x6800  }
0xe9: {  	[sflag:s5] =	ssyncset.done $0x0  }
0xea: {  	[sflag:s5] =	ssyncadd.s32 $0xFFFF9800  }
0xeb: {  	[tilespmem:s12], [sflag:$0x1] =	stream.indirect.gather [hbm4b:s3+s11], $0x20, s25, s11, $0xb8;
	[tilespmem:$0x1D400] =	vst v63  }
0xec: {  	s0 =	rddreg [dreg:$0x8]  }
0xed: {  	[hbm4b:s0+s2] =	stream.linear.scatter [tilespmem:s10], [sflag:$0x6], $0x6800, $0x38;
	[tilespmem:$0x1D400] =	vst v63  }
0xee: {  	_ =	swait.ge [sflag:s14], $0x6800  }
0xef: {  	[sflag:s14] =	ssyncset.done $0x0  }
0xf0: {  	[sflag:s14] =	ssyncadd.s32 $0xFFFF9800  }
0xf1: {  	_ =	swait.ge [sflag:s6], $0x6800  }
0xf2: {  	[sflag:s6] =	ssyncset.done $0x0  }
0xf3: {  	[sflag:s6] =	ssyncadd.s32 $0xFFFF9800  }
0xf4: {  	[tilespmem:s10], [sflag:$0x2] =	stream.indirect.gather [hbm4b:s3+s11], $0x20, s24, s11, $0xb8;
	[tilespmem:$0x1D400] =	vst v63  }
0xf5: {  	s0 =	rddreg [dreg:$0x9]  }
0xf6: {  	[hbm4b:s0+s2] =	stream.linear.scatter [tilespmem:s9], [sflag:$0x7], $0x6800, $0x38;
	[tilespmem:$0x1D400] =	vst v63  }
0xf7: {  	_ =	swait.ge [sflag:s13], $0x6800  }
0xf8: {  	[sflag:s13] =	ssyncset.done $0x0  }
0xf9: {  	[sflag:s13] =	ssyncadd.s32 $0xFFFF9800  }
0xfa: {  	_ =	swait.ge [sflag:s7], $0x6800  }
0xfb: {  	[sflag:s7] =	ssyncset.done $0x0  }
0xfc: {  	[sflag:s7] =	ssyncadd.s32 $0xFFFF9800  }
0xfd: {  	[tilespmem:s9], [sflag:$0x3] =	stream.indirect.gather [hbm4b:s3+s11], $0x20, s23, s11, $0xb8;
	[tilespmem:$0x1D400] =	vst v63  }
0xfe: {  	s0 =	rddreg [dreg:$0xa]  }
0xff: {  	[hbm4b:s0+s2] =	stream.linear.scatter [tilespmem:s8], [sflag:$0x8], $0x6800, $0x38;
	[tilespmem:$0x1D400] =	vst v63  }
0x100: {  	_ =	swait.ge [sflag:s16], $0x6800  }
0x101: {  	[sflag:s16] =	ssyncset.done $0x0  }
0x102: {  	[sflag:s16] =	ssyncadd.s32 $0xFFFF9800  }
0x103: {  	_ =	swait.ge [sflag:s4], $0x6800  }
0x104: {  	[sflag:s4] =	ssyncset.done $0x0  }
0x105: {  	[sflag:s4] =	ssyncadd.s32 $0xFFFF9800  }
0x106: {  	[tilespmem:s8], [sflag:$0x4] =	stream.indirect.gather [hbm4b:s3+s11], $0x20, s21, s11, $0xb8;
	[tilespmem:$0x1D400] =	vst v63  }
0x107: {  	s0 =	rddreg [dreg:$0xb]  }
0x108: {  	[hbm4b:s0+s2] =	stream.linear.scatter [tilespmem:s12], [sflag:$0x5], $0x6800, $0x38;
	[tilespmem:$0x1D400] =	vst v63  }
0x109: {  	_ =	swait.ge [sflag:s15], $0x6800  }
0x10a: {  	[sflag:s15] =	ssyncset.done $0x0  }
0x10b: {  	[sflag:s15] =	ssyncadd.s32 $0xFFFF9800  }
0x10c: {  	_ =	swait.ge [sflag:s5], $0x6800  }
0x10d: {  	[sflag:s5] =	ssyncset.done $0x0  }
0x10e: {  	[sflag:s5] =	ssyncadd.s32 $0xFFFF9800  }
0x10f: {  	[tilespmem:s12], [sflag:$0x1] =	stream.indirect.gather [hbm4b:s3+s11], $0x20, s20, s11, $0xb8;
	[tilespmem:$0x1D400] =	vst v63  }
0x110: {  	s0 =	rddreg [dreg:$0xc]  }
0x111: {  	[hbm4b:s0+s2] =	stream.linear.scatter [tilespmem:s10], [sflag:$0x6], $0x6800, $0x38;
	[tilespmem:$0x1D400] =	vst v63  }
0x112: {  	_ =	swait.ge [sflag:s14], $0x6800  }
0x113: {  	[sflag:s14] =	ssyncset.done $0x0  }
0x114: {  	[sflag:s14] =	ssyncadd.s32 $0xFFFF9800  }
0x115: {  	_ =	swait.ge [sflag:s6], $0x6800  }
0x116: {  	[sflag:s6] =	ssyncset.done $0x0  }
0x117: {  	[sflag:s6] =	ssyncadd.s32 $0xFFFF9800  }
0x118: {  	[tilespmem:s10], [sflag:$0x2] =	stream.indirect.gather [hbm4b:s3+s11], $0x20, s19, s11, $0xb8;
	[tilespmem:$0x1D400] =	vst v63  }
0x119: {  	s0 =	rddreg [dreg:$0xd]  }
0x11a: {  	[hbm4b:s0+s2] =	stream.linear.scatter [tilespmem:s9], [sflag:$0x7], $0x6800, $0x38;
	[tilespmem:$0x1D400] =	vst v63  }
0x11b: {  	_ =	swait.ge [sflag:s13], $0x6800  }
0x11c: {  	[sflag:s13] =	ssyncset.done $0x0  }
0x11d: {  	[sflag:s13] =	ssyncadd.s32 $0xFFFF9800  }
0x11e: {  	_ =	swait.ge [sflag:s7], $0x6800  }
0x11f: {  	[sflag:s7] =	ssyncset.done $0x0  }
0x120: {  	[sflag:s7] =	ssyncadd.s32 $0xFFFF9800  }
0x121: {  	[tilespmem:s9], [sflag:$0x3] =	stream.indirect.gather [hbm4b:s3+s11], $0x20, s18, s11, $0xb8;
	[tilespmem:$0x1D400] =	vst v63  }
0x122: {  	s0 =	rddreg [dreg:$0xe]  }
0x123: {  	[hbm4b:s0+s2] =	stream.linear.scatter [tilespmem:s8], [sflag:$0x8], $0x6800, $0x38;
	[tilespmem:$0x1D400] =	vst v63  }
0x124: {  	_ =	swait.ge [sflag:s16], $0x6800  }
0x125: {  	[sflag:s16] =	ssyncset.done $0x0  }
0x126: {  	[sflag:s16] =	ssyncadd.s32 $0xFFFF9800  }
0x127: {  	_ =	swait.ge [sflag:s4], $0x6800  }
0x128: {  	[sflag:s4] =	ssyncset.done $0x0  }
0x129: {  	[sflag:s4] =	ssyncadd.s32 $0xFFFF9800  }
0x12a: {  	[tilespmem:s8], [sflag:$0x4] =	stream.indirect.gather [hbm4b:s3+s11], $0x20, s17, s11, $0xb8;
	[tilespmem:$0x1D400] =	vst v63  }
0x12b: {  	s0 =	rddreg [dreg:$0xf]  }
0x12c: {  	[hbm4b:s0+s2] =	stream.linear.scatter [tilespmem:s12], [sflag:$0x5], $0x6800, $0x38;
	[tilespmem:$0x1D400] =	vst v63  }
0x12d: {  	_ =	swait.ge [sflag:s15], $0x6800  }
0x12e: {  	[sflag:s15] =	ssyncset.done $0x0  }
0x12f: {  	s0 =	rddreg [dreg:$0x10];
	[sflag:s15] =	ssyncadd.s32 $0xFFFF9800  }
0x130: {  	[hbm4b:s0+s2] =	stream.linear.scatter [tilespmem:s10], [sflag:$0x6], $0x6800, $0x38;
	[tilespmem:$0x1D400] =	vst v63  }
0x131: {  	_ =	swait.ge [sflag:s14], $0x6800  }
0x132: {  	[sflag:s14] =	ssyncset.done $0x0  }
0x133: {  	s0 =	rddreg [dreg:$0x11];
	[sflag:s14] =	ssyncadd.s32 $0xFFFF9800  }
0x134: {  	[hbm4b:s0+s2] =	stream.linear.scatter [tilespmem:s9], [sflag:$0x7], $0x6800, $0x38;
	[tilespmem:$0x1D400] =	vst v63  }
0x135: {  	_ =	swait.ge [sflag:s13], $0x6800  }
0x136: {  	[sflag:s13] =	ssyncset.done $0x0  }
0x137: {  	s0 =	rddreg [dreg:$0x12];
	[sflag:s13] =	ssyncadd.s32 $0xFFFF9800  }
0x138: {  	[hbm4b:s0+s2] =	stream.linear.scatter [tilespmem:s8], [sflag:$0x8], $0x6800, $0x38;
	[tilespmem:$0x1D400] =	vst v63  }
0x139: {  	_ =	swait.ge [sflag:s5], $0x6800  }
0x13a: {  	[sflag:s5] =	ssyncset.done $0x0  }
0x13b: {  	[sflag:s5] =	ssyncadd.s32 $0xFFFF9800  }
0x13c: {  	_ =	swait.ge [sflag:s6], $0x6800  }
0x13d: {  	[sflag:s6] =	ssyncset.done $0x0  }
0x13e: {  	p1 =	sne.s32 s1, $0x1;
	[sflag:s6] =	ssyncadd.s32 $0xFFFF9800  }
.Ltmp2:
0x13f: {  	_ =	swait.ge [sflag:s7], $0x6800;
	(pc) =	sbr.rel @p1 .LBB2_2-.Ltmp2, $4  }
0x140: {  	[sflag:s7] =	ssyncset.done $0x0  }
0x141: {  	[sflag:s7] =	ssyncadd.s32 $0xFFFF9800  }
0x142: {  	_ =	swait.ge [sflag:s4], $0x6800  }
0x143: {  	s1 =	sadd.s32 $0xFFFFFFFF, s1;
	s0 =	rddreg [dreg:$0x3];
	[sflag:s4] =	ssyncset.done $0x0  }
.LBB2_3:
0x144: {  	[sflag:s4] =	ssyncadd.s32 @p0 $0xFFFF9800  }
0x145: {  	[tilespmem:s2], [sflag:$0x9] =	stream.linear.gather [hbm4b:s0+s2], $0x3400, $0x38;
	[tilespmem:$0x1D400] =	vst v63  }
0x146: {  	_ =	swait.ge [sflag:s31], $0x3400  }
0x147: {  	[sflag:s31] =	ssyncset.done $0x0  }
0x148: {  	[sflag:s31] =	ssyncadd.s32 $0xFFFFCC00  }
0x149: {  	[tilespmem:s12], [sflag:$0x1] =	stream.indirect.gather [hbm4b:s3+s11], $0x20, s2, s11, $0xb8;
	[tilespmem:$0x1D400] =	vst v63  }
0x14a: {  	_ = 	snop  }
0x14b: {  	[tilespmem:s10], [sflag:$0x2] =	stream.indirect.gather [hbm4b:s3+s11], $0x20, s11, s11, $0xb8;
	[tilespmem:$0x1D400] =	vst v63  }
0x14c: {  	s31 =	rddreg [dreg:$0x13]  }
0x14d: {  	[tilespmem:s9], [sflag:$0x3] =	stream.indirect.gather [hbm4b:s3+s11], $0x20, s31, s11, $0xb8;
	[tilespmem:$0x1D400] =	vst v63  }
0x14e: {  	_ =	swait.ge [sflag:s16], $0x6800  }
0x14f: {  	[sflag:s16] =	ssyncset.done $0x0  }
0x150: {  	s1 =	rddreg [dreg:$0x14];
	[sflag:s16] =	ssyncadd.s32 $0xFFFF9800  }
0x151: {  	[tilespmem:s8], [sflag:$0x4] =	stream.indirect.gather [hbm4b:s3+s11], $0x20, s1, s11, $0xb8;
	[tilespmem:$0x1D400] =	vst v63  }
0x152: {  	_ = 	snop  }
0x153: {  	[hbm4b:s22+s2] =	stream.linear.scatter [tilespmem:s12], [sflag:$0x5], $0x6800, $0x38;
	[tilespmem:$0x1D400] =	vst v63  }
0x154: {  	_ =	swait.ge [sflag:s15], $0x6800  }
0x155: {  	[sflag:s15] =	ssyncset.done $0x0  }
0x156: {  	[sflag:s15] =	ssyncadd.s32 $0xFFFF9800  }
0x157: {  	_ =	swait.ge [sflag:s5], $0x6800  }
0x158: {  	[sflag:s5] =	ssyncset.done $0x0  }
0x159: {  	[sflag:s5] =	ssyncadd.s32 $0xFFFF9800  }
0x15a: {  	[tilespmem:s12], [sflag:$0x1] =	stream.indirect.gather [hbm4b:s3+s11], $0x20, s30, s11, $0xb8;
	[tilespmem:$0x1D400] =	vst v63  }
0x15b: {  	s31 =	rddreg [dreg:$0x4]  }
0x15c: {  	[hbm4b:s31+s2] =	stream.linear.scatter [tilespmem:s10], [sflag:$0x6], $0x6800, $0x38;
	[tilespmem:$0x1D400] =	vst v63  }
0x15d: {  	_ =	swait.ge [sflag:s14], $0x6800  }
0x15e: {  	[sflag:s14] =	ssyncset.done $0x0  }
0x15f: {  	[sflag:s14] =	ssyncadd.s32 $0xFFFF9800  }
0x160: {  	_ =	swait.ge [sflag:s6], $0x6800  }
0x161: {  	[sflag:s6] =	ssyncset.done $0x0  }
0x162: {  	[sflag:s6] =	ssyncadd.s32 $0xFFFF9800  }
0x163: {  	[tilespmem:s10], [sflag:$0x2] =	stream.indirect.gather [hbm4b:s3+s11], $0x20, s29, s11, $0xb8;
	[tilespmem:$0x1D400] =	vst v63  }
0x164: {  	s1 =	rddreg [dreg:$0x5]  }
0x165: {  	[hbm4b:s1+s2] =	stream.linear.scatter [tilespmem:s9], [sflag:$0x7], $0x6800, $0x38;
	[tilespmem:$0x1D400] =	vst v63  }
0x166: {  	_ =	swait.ge [sflag:s13], $0x6800  }
0x167: {  	[sflag:s13] =	ssyncset.done $0x0  }
0x168: {  	[sflag:s13] =	ssyncadd.s32 $0xFFFF9800  }
0x169: {  	_ =	swait.ge [sflag:s7], $0x6800  }
0x16a: {  	[sflag:s7] =	ssyncset.done $0x0  }
0x16b: {  	[sflag:s7] =	ssyncadd.s32 $0xFFFF9800  }
0x16c: {  	[tilespmem:s9], [sflag:$0x3] =	stream.indirect.gather [hbm4b:s3+s11], $0x20, s28, s11, $0xb8;
	[tilespmem:$0x1D400] =	vst v63  }
0x16d: {  	s22 =	rddreg [dreg:$0x6]  }
0x16e: {  	[hbm4b:s22+s2] =	stream.linear.scatter [tilespmem:s8], [sflag:$0x8], $0x6800, $0x38;
	[tilespmem:$0x1D400] =	vst v63  }
0x16f: {  	_ =	swait.ge [sflag:s16], $0x6800  }
0x170: {  	[sflag:s16] =	ssyncset.done $0x0  }
0x171: {  	[sflag:s16] =	ssyncadd.s32 $0xFFFF9800  }
0x172: {  	_ =	swait.ge [sflag:s4], $0x6800  }
0x173: {  	[sflag:s4] =	ssyncset.done $0x0  }
0x174: {  	[sflag:s4] =	ssyncadd.s32 $0xFFFF9800  }
0x175: {  	[tilespmem:s8], [sflag:$0x4] =	stream.indirect.gather [hbm4b:s3+s11], $0x20, s26, s11, $0xb8;
	[tilespmem:$0x1D400] =	vst v63  }
0x176: {  	s29 =	rddreg [dreg:$0x7]  }
0x177: {  	[hbm4b:s29+s2] =	stream.linear.scatter [tilespmem:s12], [sflag:$0x5], $0x6800, $0x38;
	[tilespmem:$0x1D400] =	vst v63  }
0x178: {  	_ =	swait.ge [sflag:s15], $0x6800  }
0x179: {  	[sflag:s15] =	ssyncset.done $0x0  }
0x17a: {  	[sflag:s15] =	ssyncadd.s32 $0xFFFF9800  }
0x17b: {  	_ =	swait.ge [sflag:s5], $0x6800  }
0x17c: {  	[sflag:s5] =	ssyncset.done $0x0  }
0x17d: {  	[sflag:s5] =	ssyncadd.s32 $0xFFFF9800  }
0x17e: {  	[tilespmem:s12], [sflag:$0x1] =	stream.indirect.gather [hbm4b:s3+s11], $0x20, s25, s11, $0xb8;
	[tilespmem:$0x1D400] =	vst v63  }
0x17f: {  	s30 =	rddreg [dreg:$0x8]  }
0x180: {  	[hbm4b:s30+s2] =	stream.linear.scatter [tilespmem:s10], [sflag:$0x6], $0x6800, $0x38;
	[tilespmem:$0x1D400] =	vst v63  }
0x181: {  	_ =	swait.ge [sflag:s14], $0x6800  }
0x182: {  	[sflag:s14] =	ssyncset.done $0x0  }
0x183: {  	[sflag:s14] =	ssyncadd.s32 $0xFFFF9800  }
0x184: {  	_ =	swait.ge [sflag:s6], $0x6800  }
0x185: {  	[sflag:s6] =	ssyncset.done $0x0  }
0x186: {  	[sflag:s6] =	ssyncadd.s32 $0xFFFF9800  }
0x187: {  	[tilespmem:s10], [sflag:$0x2] =	stream.indirect.gather [hbm4b:s3+s11], $0x20, s24, s11, $0xb8;
	[tilespmem:$0x1D400] =	vst v63  }
0x188: {  	s31 =	rddreg [dreg:$0x9]  }
0x189: {  	[hbm4b:s31+s2] =	stream.linear.scatter [tilespmem:s9], [sflag:$0x7], $0x6800, $0x38;
	[tilespmem:$0x1D400] =	vst v63  }
0x18a: {  	_ =	swait.ge [sflag:s13], $0x6800  }
0x18b: {  	[sflag:s13] =	ssyncset.done $0x0  }
0x18c: {  	[sflag:s13] =	ssyncadd.s32 $0xFFFF9800  }
0x18d: {  	_ =	swait.ge [sflag:s7], $0x6800  }
0x18e: {  	[sflag:s7] =	ssyncset.done $0x0  }
0x18f: {  	[sflag:s7] =	ssyncadd.s32 $0xFFFF9800  }
0x190: {  	[tilespmem:s9], [sflag:$0x3] =	stream.indirect.gather [hbm4b:s3+s11], $0x20, s23, s11, $0xb8;
	[tilespmem:$0x1D400] =	vst v63  }
0x191: {  	s1 =	rddreg [dreg:$0xa]  }
0x192: {  	[hbm4b:s1+s2] =	stream.linear.scatter [tilespmem:s8], [sflag:$0x8], $0x6800, $0x38;
	[tilespmem:$0x1D400] =	vst v63  }
0x193: {  	_ =	swait.ge [sflag:s16], $0x6800  }
0x194: {  	[sflag:s16] =	ssyncset.done $0x0  }
0x195: {  	[sflag:s16] =	ssyncadd.s32 $0xFFFF9800  }
0x196: {  	_ =	swait.ge [sflag:s4], $0x6800  }
0x197: {  	[sflag:s4] =	ssyncset.done $0x0  }
0x198: {  	[sflag:s4] =	ssyncadd.s32 $0xFFFF9800  }
0x199: {  	[tilespmem:s8], [sflag:$0x4] =	stream.indirect.gather [hbm4b:s3+s11], $0x20, s21, s11, $0xb8;
	[tilespmem:$0x1D400] =	vst v63  }
0x19a: {  	s22 =	rddreg [dreg:$0xb]  }
0x19b: {  	[hbm4b:s22+s2] =	stream.linear.scatter [tilespmem:s12], [sflag:$0x5], $0x6800, $0x38;
	[tilespmem:$0x1D400] =	vst v63  }
0x19c: {  	_ =	swait.ge [sflag:s15], $0x6800  }
0x19d: {  	[sflag:s15] =	ssyncset.done $0x0  }
0x19e: {  	[sflag:s15] =	ssyncadd.s32 $0xFFFF9800  }
0x19f: {  	_ =	swait.ge [sflag:s5], $0x6800  }
0x1a0: {  	[sflag:s5] =	ssyncset.done $0x0  }
0x1a1: {  	[sflag:s5] =	ssyncadd.s32 $0xFFFF9800  }
0x1a2: {  	[tilespmem:s12], [sflag:$0x1] =	stream.indirect.gather [hbm4b:s3+s11], $0x20, s20, s11, $0xb8;
	[tilespmem:$0x1D400] =	vst v63  }
0x1a3: {  	s23 =	rddreg [dreg:$0xc]  }
0x1a4: {  	[hbm4b:s23+s2] =	stream.linear.scatter [tilespmem:s10], [sflag:$0x6], $0x6800, $0x38;
	[tilespmem:$0x1D400] =	vst v63  }
0x1a5: {  	_ =	swait.ge [sflag:s14], $0x6800  }
0x1a6: {  	[sflag:s14] =	ssyncset.done $0x0  }
0x1a7: {  	[sflag:s14] =	ssyncadd.s32 $0xFFFF9800  }
0x1a8: {  	_ =	swait.ge [sflag:s6], $0x6800  }
0x1a9: {  	[sflag:s6] =	ssyncset.done $0x0  }
0x1aa: {  	[sflag:s6] =	ssyncadd.s32 $0xFFFF9800  }
0x1ab: {  	[tilespmem:s10], [sflag:$0x2] =	stream.indirect.gather [hbm4b:s3+s11], $0x20, s19, s11, $0xb8;
	[tilespmem:$0x1D400] =	vst v63  }
0x1ac: {  	s24 =	rddreg [dreg:$0xd]  }
0x1ad: {  	[hbm4b:s24+s2] =	stream.linear.scatter [tilespmem:s9], [sflag:$0x7], $0x6800, $0x38;
	[tilespmem:$0x1D400] =	vst v63  }
0x1ae: {  	_ =	swait.ge [sflag:s13], $0x6800  }
0x1af: {  	[sflag:s13] =	ssyncset.done $0x0  }
0x1b0: {  	[sflag:s13] =	ssyncadd.s32 $0xFFFF9800  }
0x1b1: {  	_ =	swait.ge [sflag:s7], $0x6800  }
0x1b2: {  	[sflag:s7] =	ssyncset.done $0x0  }
0x1b3: {  	[sflag:s7] =	ssyncadd.s32 $0xFFFF9800  }
0x1b4: {  	[tilespmem:s9], [sflag:$0x3] =	stream.indirect.gather [hbm4b:s3+s11], $0x20, s18, s11, $0xb8;
	[tilespmem:$0x1D400] =	vst v63  }
0x1b5: {  	s25 =	rddreg [dreg:$0xe]  }
0x1b6: {  	[hbm4b:s25+s2] =	stream.linear.scatter [tilespmem:s8], [sflag:$0x8], $0x6800, $0x38;
	[tilespmem:$0x1D400] =	vst v63  }
0x1b7: {  	_ =	swait.ge [sflag:s16], $0x6800  }
0x1b8: {  	[sflag:s16] =	ssyncset.done $0x0  }
0x1b9: {  	[sflag:s16] =	ssyncadd.s32 $0xFFFF9800  }
0x1ba: {  	_ =	swait.ge [sflag:s4], $0x6800  }
0x1bb: {  	[sflag:s4] =	ssyncset.done $0x0  }
0x1bc: {  	[sflag:s4] =	ssyncadd.s32 $0xFFFF9800  }
0x1bd: {  	[tilespmem:s8], [sflag:$0x4] =	stream.indirect.gather [hbm4b:s3+s11], $0x20, s17, s11, $0xb8;
	[tilespmem:$0x1D400] =	vst v63  }
0x1be: {  	s26 =	rddreg [dreg:$0xf]  }
0x1bf: {  	[hbm4b:s26+s2] =	stream.linear.scatter [tilespmem:s12], [sflag:$0x5], $0x6800, $0x38;
	[tilespmem:$0x1D400] =	vst v63  }
0x1c0: {  	_ =	swait.ge [sflag:s15], $0x6800  }
0x1c1: {  	[sflag:s15] =	ssyncset.done $0x0  }
0x1c2: {  	s28 =	rddreg [dreg:$0x10];
	[sflag:s15] =	ssyncadd.s32 $0xFFFF9800  }
0x1c3: {  	[hbm4b:s28+s2] =	stream.linear.scatter [tilespmem:s10], [sflag:$0x6], $0x6800, $0x38;
	[tilespmem:$0x1D400] =	vst v63  }
0x1c4: {  	_ =	swait.ge [sflag:s14], $0x6800  }
0x1c5: {  	[sflag:s14] =	ssyncset.done $0x0  }
0x1c6: {  	s29 =	rddreg [dreg:$0x11];
	[sflag:s14] =	ssyncadd.s32 $0xFFFF9800  }
0x1c7: {  	[hbm4b:s29+s2] =	stream.linear.scatter [tilespmem:s9], [sflag:$0x7], $0x6800, $0x38;
	[tilespmem:$0x1D400] =	vst v63  }
0x1c8: {  	_ =	swait.ge [sflag:s13], $0x6800  }
0x1c9: {  	[sflag:s13] =	ssyncset.done $0x0  }
0x1ca: {  	s30 =	rddreg [dreg:$0x12];
	[sflag:s13] =	ssyncadd.s32 $0xFFFF9800  }
0x1cb: {  	[hbm4b:s30+s2] =	stream.linear.scatter [tilespmem:s8], [sflag:$0x8], $0x6800, $0x38;
	[tilespmem:$0x1D400] =	vst v63  }
0x1cc: {  	_ =	swait.ge [sflag:s5], $0x6800  }
0x1cd: {  	[sflag:s5] =	ssyncset.done $0x0  }
0x1ce: {  	[sflag:s5] =	ssyncadd.s32 $0xFFFF9800  }
0x1cf: {  	_ =	swait.ge [sflag:s6], $0x6800  }
0x1d0: {  	[sflag:s6] =	ssyncset.done $0x0  }
0x1d1: {  	[sflag:s6] =	ssyncadd.s32 $0xFFFF9800  }
0x1d2: {  	_ =	swait.ge [sflag:s7], $0x6800  }
0x1d3: {  	[sflag:s7] =	ssyncset.done $0x0  }
0x1d4: {  	[sflag:s7] =	ssyncadd.s32 $0xFFFF9800  }
0x1d5: {  	_ =	swait.ge [sflag:s4], $0x6800  }
0x1d6: {  	[sflag:s4] =	ssyncset.done $0x0  }
0x1d7: {  	[sflag:s4] =	ssyncadd.s32 $0xFFFF9800  }
0x1d8: {  	_ =	sfence.sel $0x180000  }
0x1d9: {  	[bflag:$0x0] =	sbarrier.arrive $0xFFFF  }
0x1da: {  	_ =	strace $0x90000047  }
0x1db: {  	s31 =	stileid.u32;
	[bflag:$0x2] =	sbarrier.arrive $0xFFFF  }
0x1dc: {  	p0 =	sne.s32 s31, $0x0;
	s0 =	rddreg [dreg:$0x2]  }
0x1dd: {  	s0 =	sadd.s32 @!p0 $0x100000, s0  }
0x1de: {  	[sflag:s0] =	ssyncadd.tile.s32 @!p0 $0x1;
	_ =	shalt  }
.Lfunc_end2:
_tile_overlayer_lowered:
.L_overlay_start_2:
0x1df: {  	(tag) =	ssettag $0x2  }
0x1e0: {  	s0 =	rddreg [dreg:$0x0];
	s2 =	stileid.u32  }
0x1e1: {  	s1 =	rddreg [dreg:$0x1];
	p0 =	sne.s32 s2, $0x0  }
0x1e2: {  	s3 =	rddreg [dreg:$0x2];
	[bflag:$0x3] =	sbarrier.arrive $0xFFFF;
	s2 =	simm.s32 @!p0 $0x1C09  }
0x1e3: {  	[timem:s3], [sflag:s2] =	dma.local @!p0 [hbm:s0], s1  }
0x1e4: {  	s0 =	simm.s32 @!p0 $0x9  }
0x1e5: {  	_ =	swait.ge @!p0 [sflag:s0], s1  }
0x1e6: {  	s1 =	ssub.s32 @!p0 $0x0, s1;
	[sflag:s0] =	ssyncset.done @!p0 $0x0  }
0x1e7: {  	[sflag:s0] =	ssyncadd.s32 @!p0 s1  }
0x1e8: {  	[bflag:$0x3] =	sbarrier.arrive $0xFFFF  }
0x1e9: {  	_ =	shalt  }

// kernel: sparse-core-data-format-call.cloned.1.call-start
scs
called_computation_lowered:
.L_overlay_start_0:
0x0: {  	s2 =	sld [smem:$0x3FD9]  }
0x1: {  	s3 =	sld [smem:$0x3FFE];
	_ =	sdelay $0x1  }
0x2: {  	s1 =	srdreg.scid  }
0x3: {  	s0 =	sand.u32 $0x1, s1  }
0x4: {  	s18 =	sshll.u32 s0, $0xA;
	s2 =	sadd.s32 s3, s2  }
0x5: {  	s2 =	sadd.s32 s2, s18  }
0x6: {  	[smem:$0x3FC6] =	sst s2  }
0x7: {  	_ = 	snop  }
0x8: {  	s2 =	sld [smem:$0x3FD0];
	(tm) =	ssettm $0x1  }
0x9: {  	s19 =	sld [smem:$0x3FFB];
	_ =	sdelay $0x3  }
0xa: {  	_ =	strace s19  }
0xb: {  	s3 =	sld [smem:$0x3FFC];
	_ =	sdelay $0x3  }
0xc: {  	_ =	strace s3  }
0xd: {  	s3 =	sld [smem:$0x3FFD];
	_ =	sdelay $0x3  }
0xe: {  	_ =	strace s3  }
0xf: {  	_ =	strace $0x8FFFFFFF  }
0x10: {  	s20 =	sld [smem:$0x3FDB];
	_ =	sdelay $0x1  }
0x11: {  	s4 =	simm.s32 $_scs_section_size  }
0x12: {  	s5 =	simm.s32 $_size__tile_overlayer_lowered;
	s6 =	simm.s32 $_tile_overlayer_lowered  }
0x13: {  	s23 =	simm.s32 $0x1BFF;
	s22 =	sshll.u32 s6, $0x1;
	s3 =	sadd.s32 s4, s20  }
0x14: {  	s7 =	simm.s32 $0x0;
	s21 =	sshll.u32 s5, $0x1;
	s5 =	sadd.s32 s22, s3  }
0x15: {  	[timem:s7], [sflag:s23] =	dma.local [hbm:s5], s21  }
0x16: {  	_ =	swait.ge [sflag:s23], s21  }
0x17: {  	s4 =	ssub.s32 $0x0, s21;
	[sflag:s23] =	ssyncset.done $0x0  }
0x18: {  	[sflag:s23] =	ssyncadd.s32 s4;
	_ =	sdelay $0x1  }
0x19: {  	s24 =	simm.s32 $0x1B8B  }
0x1a: {  	_ =	swait.ge [sflag:s24], $0x1  }
0x1b: {  	[sflag:s24] =	ssyncset.done $0x0  }
0x1c: {  	s26 =	simm.s32 $0x1B8E;
	s25 =	sld [smem:$0x3FFE];
	[sflag:s24] =	ssyncadd.s32 $0xFFFFFFFF  }
0x1d: {  	s27 =	simm.s32 $execute0_lowered;
	[smem:$0x3FD2] =	sst s26  }
0x1e: {  	s5 =	sshll.u32 s27, $0x1;
	_ =	strace $0x80000049;
	[dreg:$0x1] =	wrdreg $0xFFFFFFFF  }
0x1f: {  	s28 =	simm.s32 $_size_execute0_lowered;
	s3 =	sadd.s32 s3, s5;
	[dreg:$0x0] =	wrdreg $0x0  }
0x20: {  	s5 =	sshll.u32 s28, $0x1;
	[dreg:$0x2] =	wrdreg s3  }
0x21: {  	[dreg:$0x3] =	wrdreg s5  }
0x22: {  	[dreg:$0x4] =	wrdreg $0xC0  }
0x23: {  	_ =	task [dreg:s7], $0x5FFFF  }
0x24: {  	[dreg:$0x1] =	wrdreg $0xFFFFFFFF  }
0x25: {  	[dreg:$0x0] =	wrdreg $0x60  }
0x26: {  	[dreg:$0x2] =	wrdreg s25  }
0x27: {  	[dreg:$0x3] =	wrdreg s2  }
0x28: {  	[dreg:$0x4] =	wrdreg $0x9  }
0x29: {  	_ =	task.clear_ibuf [dreg:s7], $0x5FFFF;
	_ =	strace $0x90000049  }
0x2a: {  	s29 =	simm.s32 $0x9;
	_ =	strace $0x8000004B  }
0x2b: {  	_ =	swait.ge [sflag:s29], $0x1  }
0x2c: {  	[sflag:s29] =	ssyncadd.s32 $0xFFFFFFFF  }
0x2d: {  	_ =	strace $0x9000004B  }
0x2e: {  	_ =	sfence  }
0x2f: {  	s30 =	sld [smem:$0x0];
	_ =	sdelay $0x2  }
0x30: {  	s31 =	sshll.u32 s1, $0xD;
	s1 =	sshrl.u32 s1, $0x2  }
0x31: {  	s3 =	sand.u32 $0x4000, s31;
	s1 =	sadd.s32 s1, s30  }
0x32: {  	s0 =	sor.u32 s3, s0;
	s1 =	sshll.u32 s1, $0x11  }
0x33: {  	s0 =	sor.u32 s1, s0  }
0x34: {  	s0 =	sadd.s32 $0x8F2B, s0  }
0x35: {  	[sflag:s0] =	ssyncadd.remote.s32 $0x1  }
0x36: {  	_ =	sfence.sel $0xFFFF  }
0x37: {  	[dreg:$0x0] =	wrdreg $0xFFFFFFFF;
	(pc) =	sbr.abs _section_cstart, $3  }
0x38: {  	[dreg:$0x1] =	wrdreg $0xFFFFFFFF  }
0x39: {  	_ =	task.clear_ibuf [dreg:s7], $0x2FFFF;
	_ =	strace $0x9FFFFFFF  }
0x3a: {  	(tm) =	ssettm $0x7FFFFFFF  }
0x3b: {  	_ =	shalt  }
tec
execute0_lowered:
.L_overlay_start_1:
0x0: {  	(tag) =	ssettag $0x1  }
0x1: {  	s0 =	srdreg.scid  }
0x2: {  	s1 =	sshll.u32 s0, $0x4  }
0x3: {  	s0 =	stileid.u32;
	s1 =	sand.u32 $0x10, s1  }
0x4: {  	s1 =	sor.u32 s0, s1  }
0x5: {  	s6 =	rddreg [dreg:$0x0];
	s4 =	simm.s32 $0x1;
	s2 =	sshll.u32 s1, $0x7  }
0x6: {  	s7 =	simm.s32 $0x2;
	s12 =	simm.s32 $0x0;
	s1 =	ssub.s32 $0x4000, s2  }
0x7: {  	s8 =	simm.s32 $0x20000;
	s13 =	simm.s32 $0x0;
	s3 =	sand.u32 $0xF80, s1  }
0x8: {  	s9 =	simm.s32 $0x0;
	s5 =	sshrl.u32 s1, $0xC;
	p0 =	sne.s32 s3, $0x0  }
.Ltmp0:
0x9: {  	s1 =	rddreg [dreg:$0x2];
	s4 =	simm.s32 @!p0 $0x0;
	(pc) =	sbr.rel .LBB1_1-.Ltmp0, $4  }
0xa: {  	s11 =	simm.s32 $0x0;
	s3 =	rddreg [dreg:$0x1];
	s5 =	sadd.s32 s4, s5  }
0xb: {  	_ =	strace $0x8000004A;
	s4 =	simm.s32 $0x1;
	s5 =	smul.u32 $0x1A, s5  }
0xc: {  	s6 =	sadd.s32 $0xA00, s6;
	s10 =	smov.u32 s2;
	[sflag:s4] =	ssyncpa.u1 $0x0  }
0xd: {  	p0 =	por $0x0, $0x0;
	[sflag:s7] =	ssyncpa.u1 $0x0;
	s7 =	sor.u32 $0x1, s5  }
.LBB1_4:
0xe: {  	s16 =	sshll.u32 s13, $0x3;
	s17 =	sand.u32 $0x78, s13  }
0xf: {  	s30 =	sand.u32 $0xF800, s13;
	s12 =	sshll.u32 s12, $0x10;
	s16 =	sand.u32 $0x3C00, s16  }
0x10: {  	s31 =	sand.u32 $0x7, s13;
	s16 =	sor.u32 s17, s16;
	s17 =	sadd.s32 s3, s30  }
0x11: {  	s13 =	sshll.u32 s31, $0x12;
	s16 =	sshrl.u32 s16, $0x3;
	s12 =	sadd.s32 s12, s17  }
0x12: {  	[tilespmem:s15+$0x0 ss:$0x81] =	vst.msk $0xffff, v0;
	s13 =	sor.u32 $0x400, s13;
	s12 =	sadd.s32 s16, s12  }
0x13: {  	[hbm4b:s12+s13] =	stream.strided.scatter [tilespmem:s14], [sflag:$0x2], $0x1000, s8, s13, $0x20;
	[tilespmem:$0x4040] =	vst v63  }
.LBB1_5:
0x14: {  	s14 =	sadd.s32 $0x1, s9  }
0x15: {  	s12 =	sadd.s32 $0x1000, s10;
	s16 =	smov.u32 s10;
	p2 =	sgt.s32 s14, $0x19  }
0x16: {  	s16 =	smov.u32 @p2 s12  }
0x17: {  	s14 =	simm.s32 @p2 $0x0;
	p2 =	sgt.s32 s16, $0x3FFF  }
0x18: {  	s16 =	smov.u32 @p2 s2;
	p2 =	sne.s32 s11, s7  }
.Ltmp1:
0x19: {  	p1 =	slt.u32 s11, $0x2;
	(pc) =	sbr.rel @!p2 .LBB1_6-.Ltmp1, $4  }
0x1a: {  	s15 =	simm.s32 @!p1 $0x2  }
0x1b: {  	s13 =	smov.u32 s10;
	p0 =	por !p0, !p0;
	_ =	swait.ge @!p1 [sflag:s15], $0x1000  }
0x1c: {  	s12 =	smov.u32 s9;
	[sflag:s15] =	ssyncset.done @!p1 $0x0;
	s9 =	smov.u32 s14  }
0x1d: {  	s11 =	sadd.s32 $0x1, s11;
	[sflag:s15] =	ssyncadd.s32 @!p1 $0xFFFFF000;
	s10 =	smov.u32 s16  }
.LBB1_1:
0x1e: {  	p1 =	sge.u32 s11, s5  }
0x1f: {  	s31 =	sadd.s32 $0xFFFFFFFF, s11;
	s14 =	sxor.u32 @!p1 $0xFFFFFFFF, s11  }
0x20: {  	s15 =	sshll.u32 @!p1 s10, $0x9;
	s16 =	sshll.u32 @!p1 s9, $0x4;
	s17 =	simm.s32 @!p1 $0x1000  }
0x21: {  	s14 =	sshll.u32 @!p1 s14, $0xC;
	s16 =	sand.u32 @!p1 $0x1F0, s16;
	s15 =	sadd.s32 @!p1 s6, s15  }
0x22: {  	s14 =	sand.u32 @!p1 $0x1000, s14;
	s15 =	sadd.s32 @!p1 s16, s15;
	s16 =	simm.s32 @!p1 $0x20  }
0x23: {  	[tilespmem:s14], [sflag:$0x1] =	stream.strided.gather @!p1 [hbm4b:s15+s16], $0x1000, s17, s16, $0x38;
	[tilespmem:$0x4040] =	vst v63  }
0x24: {  	p1 =	sge.u32 s31, s5  }
.Ltmp2:
0x25: {  	_ = 	snop;
	(pc) =	sbr.rel @p1 .LBB1_5-.Ltmp2, $1  }
0x26: {  	_ =	sdelay $0x3  }
0x27: {  	s14 =	simm.s32 $0x1  }
0x28: {  	_ =	swait.ge [sflag:s4], $0x1000;
	s14 =	simm.s32 @!p0 $0x0  }
0x29: {  	[sflag:s4] =	ssyncset.done $0x0;
	s15 =	sshll.u32 s14, $0xC  }
0x2a: {  	[sflag:s4] =	ssyncadd.s32 $0xFFFFF000;
	s18 =	sor.u32 $0x10, s15  }
0x2b: {  	s14 =	smul.u32 $0x4080, s14;
	v1 =	vld [tilespmem:s18+$0x0]  }
0x2c: {  	s30 =	sand.u32 $0x1, s11;
	v0 =	vld [tilespmem:s18+$0xFFFFFFF0]  }
0x2d: {  	s15 =	smul.u32 $0x4080, s30;
	s14 =	sshrl.u32 s14, $0x2  }
0x2e: {  	s16 =	sor.u32 $0x2000, s14  }
0x2f: {  	s31 =	sshrl.u32 s15, $0x2;
	s15 =	sadd.s32 $0x0, s16  }
0x30: {  	s17 =	simm.s32 $0x4;
	s18 =	sadd.s32 $0x20, s18;
	s14 =	sor.u32 $0x2000, s31;
	[tilespmem:s15+$0x810 ss:$0x81] =	vst.msk $0xffff, v1  }
.LBB1_3:
0x31: {  	v1 =	vld [tilespmem:s18+$0x0];
	p1 =	sne.s32 s17, $0x1FC;
	[tilespmem:s15+$0x0 ss:$0x81] =	vst.msk $0xffff, v0;
	s15 =	smov.u32 s17;
	s17 =	sadd.s32 $0x4, s17  }
.Ltmp3:
0x32: {  	v0 =	vld [tilespmem:s18+$0xFFFFFFF0];
	(pc) =	sbr.rel @p1 .LBB1_3-.Ltmp3, $4  }
0x33: {  	_ = 	snop  }
0x34: {  	s15 =	sshra.s32 s15, $0x2  }
0x35: {  	s15 =	sadd.s32 s15, s16  }
0x36: {  	s18 =	sadd.s32 $0x20, s18;
	[tilespmem:s15+$0x810 ss:$0x81] =	vst.msk $0xffff, v1  }
.Ltmp4:
0x37: {  	_ = 	snop;
	(pc) =	sbr.rel .LBB1_4-.Ltmp4, $1  }
0x38: {  	_ =	sdelay $0x3  }
.LBB1_6:
0x39: {  	_ =	sfence.sel $0x180000  }
0x3a: {  	s2 =	simm.s32 $0x1;
	[bflag:$0x0] =	sbarrier.arrive $0xFFFF  }
0x3b: {  	s31 =	simm.s32 $0x2;
	[sflag:s2] =	ssyncpa.u1 $0x1  }
0x3c: {  	[sflag:s31] =	ssyncpa.u1 $0x1  }
0x3d: {  	p0 =	sne.s32 s0, $0x0;
	_ =	strace $0x9000004A  }
0x3e: {  	s0 =	sadd.s32 @!p0 $0x100000, s1;
	[bflag:$0x2] =	sbarrier.arrive $0xFFFF  }
0x3f: {  	[sflag:s0] =	ssyncadd.tile.s32 @!p0 $0x1;
	_ =	shalt  }
.Lfunc_end1:
_tile_overlayer_lowered:
.L_overlay_start_2:
0x40: {  	(tag) =	ssettag $0x2  }
0x41: {  	s0 =	rddreg [dreg:$0x0];
	s2 =	stileid.u32  }
0x42: {  	s1 =	rddreg [dreg:$0x1];
	p0 =	sne.s32 s2, $0x0  }
0x43: {  	s3 =	rddreg [dreg:$0x2];
	[bflag:$0x3] =	sbarrier.arrive $0xFFFF;
	s2 =	simm.s32 @!p0 $0x1C01  }
0x44: {  	[timem:s3], [sflag:s2] =	dma.local @!p0 [hbm:s0], s1  }
0x45: {  	s0 =	simm.s32 @!p0 $0x1  }
0x46: {  	_ =	swait.ge @!p0 [sflag:s0], s1  }
0x47: {  	s1 =	ssub.s32 @!p0 $0x0, s1;
	[sflag:s0] =	ssyncset.done @!p0 $0x0  }
0x48: {  	[sflag:s0] =	ssyncadd.s32 @!p0 s1  }
0x49: {  	[bflag:$0x3] =	sbarrier.arrive $0xFFFF  }
0x4a: {  	_ =	shalt  }

</sc_bundles>
